<compile_context>
chip_gen: v7x
topology: tpu7x:2x2x1
jax: 0.10.2.dev20260603
libtpu: 0.0.44.dev20260713+nightly
codegen_flags: <defaults>
</compile_context>

<pallas_src>
import functools

import jax
import jax.numpy as jnp
from jax import lax
from jax.experimental import pallas as pl
from jax.experimental.pallas import tpu as pltpu
from jax.experimental.pallas import tpu_sc as plsc

N = 10000
E = 320000
D = 128
DG = 16
NP = 10048
NC = 2
NS = 16
NW = NC * NS
EPW = E // NW
CH = 128
CPW = EPW // CH
TAIL = EPW - CPW * CH
RPT = NP // NS
BLK = 1256


def _sc_aggregate(x, edge_index):
    mesh = plsc.VectorSubcoreMesh(core_axis_name="c", subcore_axis_name="s")

    @functools.partial(
        pl.kernel,
        out_type=(jax.ShapeDtypeStruct((NC, NP, D), jnp.float32),
                  jax.ShapeDtypeStruct((NC, NP, DG), jnp.float32)),
        mesh=mesh,
        compiler_params=pltpu.CompilerParams(use_tc_tiling_on_sc=False),
        scratch_types=[
            pltpu.VMEM((2, CH), jnp.int32),
            pltpu.VMEM((2, CH), jnp.int32),
            pltpu.VMEM((2, TAIL), jnp.int32),
            pltpu.VMEM((CH, D), jnp.float32),
            pltpu.VMEM((CH, D), jnp.float32),
            pltpu.VMEM((CH, DG), jnp.float32),
            pltpu.VMEM((CH, DG), jnp.float32),
            pltpu.VMEM_SHARED((NP, D), jnp.float32),
            pltpu.VMEM_SHARED((NP, DG), jnp.float32),
            pltpu.SemaphoreType.DMA,
            pltpu.SemaphoreType.DMA,
            pltpu.SemaphoreType.DMA,
            pltpu.SemaphoreType.DMA,
        ],
    )
    def agg(x_hbm, ed_hbm, out_hbm, deg_hbm,
            ib0, ib1, ibt, buf0, buf1, ones_v, dstage, acc, dacc,
            sem0, sem1, semi0, semi1):
        c = lax.axis_index("c")
        s = lax.axis_index("s")
        w = c * NS + s
        base = s * RPT
        eoff = w * EPW

        ibs = (ib0, ib1)
        bufs = (buf0, buf1)
        sems = (sem0, sem1)
        semis = (semi0, semi1)

        zv = jnp.zeros((16,), jnp.float32)

        @pl.loop(0, CH)
        def _(r):
            for j in range(D // 16):
                buf0[r, pl.ds(16 * j, 16)] = zv

        for j in range(RPT // CH):
            pltpu.sync_copy(buf0, acc.at[pl.ds(base + j * CH, CH)])
        rem = RPT % CH
        if rem:
            pltpu.sync_copy(buf0.at[pl.ds(0, rem)],
                            acc.at[pl.ds(base + (RPT // CH) * CH, rem)])

        @pl.loop(0, CH)
        def _(r):
            ones_v[r, :] = zv
        for j in range(RPT // CH):
            pltpu.sync_copy(ones_v, dacc.at[pl.ds(base + j * CH, CH)])
        if rem:
            pltpu.sync_copy(ones_v.at[pl.ds(0, rem)],
                            dacc.at[pl.ds(base + (RPT // CH) * CH, rem)])

        ov = jnp.ones((16,), jnp.float32)

        @pl.loop(0, CH)
        def _(r):
            ones_v[r, :] = ov

        plsc.subcore_barrier()

        def start_idx(chunk, p):
            off = eoff + chunk * CH
            pltpu.async_copy(ed_hbm.at[:, pl.ds(off, CH)], ibs[p], semis[p])

        def wait_idx(p):
            pltpu.make_async_copy(ed_hbm.at[:, pl.ds(0, CH)], ibs[p],
                                  semis[p]).wait()

        def start_gather(p):
            pltpu.async_copy(x_hbm.at[ibs[p].at[0]], bufs[p], sems[p])

        def wait_gather(p):
            pltpu.make_async_copy(x_hbm.at[ibs[p].at[0]], bufs[p],
                                  sems[p]).wait()

        pltpu.sync_copy(ed_hbm.at[:, pl.ds(eoff, CH)], ib0)
        start_gather(0)
        start_idx(1, 1)

        @pl.loop(0, CPW // 2)
        def _(k):
            for half in range(2):
                x_, y = half, 1 - half
                t = 2 * k + half
                wait_gather(x_)

                @pl.when(t < CPW - 1)
                def _():
                    wait_idx(y)
                    start_gather(y)

                pltpu.sync_copy(bufs[x_], acc.at[ibs[x_].at[1]], add=True)
                pltpu.sync_copy(ones_v, dacc.at[ibs[x_].at[1]], add=True)

                @pl.when(t < CPW - 2)
                def _():
                    start_idx(t + 2, x_)

        if TAIL:
            toff = eoff + CPW * CH
            pltpu.sync_copy(ed_hbm.at[:, pl.ds(toff, TAIL)], ibt)
            pltpu.sync_copy(x_hbm.at[ibt.at[0]], buf0.at[pl.ds(0, TAIL)])
            pltpu.sync_copy(buf0.at[pl.ds(0, TAIL)],
                            acc.at[ibt.at[1]], add=True)
            pltpu.sync_copy(ones_v.at[pl.ds(0, TAIL)],
                            dacc.at[ibt.at[1]], add=True)

        plsc.subcore_barrier()

        for j in range(RPT // CH):
            r = base + j * CH
            pltpu.sync_copy(acc.at[pl.ds(r, CH)], buf0)
            pltpu.sync_copy(buf0, out_hbm.at[c, pl.ds(r, CH)])
            pltpu.sync_copy(dacc.at[pl.ds(r, CH)], dstage)
            pltpu.sync_copy(dstage, deg_hbm.at[c, pl.ds(r, CH)])
        if rem:
            r = base + (RPT // CH) * CH
            pltpu.sync_copy(acc.at[pl.ds(r, rem)], buf1.at[pl.ds(0, rem)])
            pltpu.sync_copy(buf1.at[pl.ds(0, rem)], out_hbm.at[c, pl.ds(r, rem)])
            pltpu.sync_copy(dacc.at[pl.ds(r, rem)], dstage.at[pl.ds(0, rem)])
            pltpu.sync_copy(dstage.at[pl.ds(0, rem)],
                            deg_hbm.at[c, pl.ds(r, rem)])

    return agg(x, edge_index)


def _tc_finish(parts, degs, W, b2):

    def body(p_ref, d_ref, w_ref, b_ref, o_ref):
        p = p_ref[0] + p_ref[1]
        dsum = d_ref[0] + d_ref[1]
        deg = jnp.maximum(dsum[:, :1], 1.0)
        h = p / deg
        o_ref[...] = lax.dot_general(
            h, w_ref[...], (((1,), (1,)), ((), ())),
            preferred_element_type=jnp.float32) + b_ref[...]

    return pl.pallas_call(
        body,
        grid=(NP // BLK,),
        in_specs=[
            pl.BlockSpec((NC, BLK, D), lambda i: (0, i, 0)),
            pl.BlockSpec((NC, BLK, DG), lambda i: (0, i, 0)),
            pl.BlockSpec((D, D), lambda i: (0, 0)),
            pl.BlockSpec((1, D), lambda i: (0, 0)),
        ],
        out_specs=pl.BlockSpec((BLK, D), lambda i: (i, 0)),
        out_shape=jax.ShapeDtypeStruct((N, D), jnp.float32),
    )(parts, degs, W, b2)


def kernel(x, edge_index, W, b):
    x = x.astype(jnp.float32)
    ed = edge_index.astype(jnp.int32)
    parts, degs = _sc_aggregate(x, ed)
    return _tc_finish(parts, degs, W, b.reshape(1, D))

# --- scband reference (transcript-rebuilt; emitter-appended) ---
"""Pipeline reference for scband-gcnconv-15779709845545 (READ-ONLY COPY).

The authoritative reference and input builder live on the scoring server;
editing this copy changes nothing except your own understanding.
"""

import jax, jax.numpy as jnp
import numpy as np

N_NODES = 10000
N_EDGES = 320000
D_IN = 128
D_OUT = 128


def setup_inputs(seed: int = 0) -> dict:
    key = jax.random.key(seed)
    k1, k2, k3, k4 = jax.random.split(key, 4)
    x = jax.random.normal(k1, (N_NODES, D_IN), dtype=jnp.float32)
    edge_index = jax.random.randint(k2, (2, N_EDGES), 0, N_NODES, dtype=jnp.int32)
    # nn.Linear(in_dim, out_dim): weight [out, in], bias [out]
    bound = 1.0 / np.sqrt(D_IN)
    W = jax.random.uniform(k3, (D_OUT, D_IN), dtype=jnp.float32, minval=-bound, maxval=bound)
    b = jax.random.uniform(k4, (D_OUT,), dtype=jnp.float32, minval=-bound, maxval=bound)
    return {"x": x, "edge_index": edge_index, "W": W, "b": b}


def reference(x, edge_index, W, b):
    # DGL: g.update_all(fn.copy_u('h','m'), fn.mean('m','h'))
    # edge_index[0] = src nodes, edge_index[1] = dst nodes.
    # Each dst node receives the mean of its in-neighbor (src) features;
    # nodes with zero in-degree get zeros (DGL mean semantics).
    src = edge_index[0]
    dst = edge_index[1]
    msgs = jnp.take(x, src, axis=0)                      # gather [E, D_IN]
    agg = jax.ops.segment_sum(msgs, dst, num_segments=N_NODES)
    deg = jax.ops.segment_sum(jnp.ones((msgs.shape[0],), dtype=x.dtype), dst,
                              num_segments=N_NODES)
    h = agg / jnp.maximum(deg, 1.0)[:, None]
    # self.linear(h)
    return h @ W.T + b

if __name__ == "__main__":
    import jax
    _d = setup_inputs()
    print(jax.jit(kernel)(*tuple(_d.values())))

</pallas_src>

<mosaic_0001>
#map = affine_map<(d0, d1) -> (0, 0)>
#map1 = affine_map<(d0, d1) -> (0, 0, 0)>
module attributes {stable_mosaic.version = 14 : i64} {
  func.func @agg(%arg0: i32, %arg1: i32, %arg2: memref<10000x128xf32, #tpu.memory_space<hbm>>, %arg3: memref<2x320000xi32, #tpu.memory_space<hbm>>, %arg4: memref<2x10048x128xf32, #tpu.memory_space<hbm>>, %arg5: memref<2x10048x16xf32, #tpu.memory_space<hbm>>, %arg6: memref<2x128xi32, #tpu.memory_space<vmem>>, %arg7: memref<2x128xi32, #tpu.memory_space<vmem>>, %arg8: memref<2x16xi32, #tpu.memory_space<vmem>>, %arg9: memref<128x128xf32, #tpu.memory_space<vmem>>, %arg10: memref<128x128xf32, #tpu.memory_space<vmem>>, %arg11: memref<128x16xf32, #tpu.memory_space<vmem>>, %arg12: memref<128x16xf32, #tpu.memory_space<vmem>>, %arg13: memref<10048x128xf32, #tpu.memory_space<vmem_shared>>, %arg14: memref<10048x16xf32, #tpu.memory_space<vmem_shared>>, %arg15: memref<!tpu.dma_semaphore, #tpu.memory_space<semaphore_mem>>, %arg16: memref<!tpu.dma_semaphore, #tpu.memory_space<semaphore_mem>>, %arg17: memref<!tpu.dma_semaphore, #tpu.memory_space<semaphore_mem>>, %arg18: memref<!tpu.dma_semaphore, #tpu.memory_space<semaphore_mem>>) attributes {dimension_semantics = [#tpu.dimension_semantics<core_parallel>, #tpu.dimension_semantics<subcore_parallel>], iteration_bounds = array<i64: 2, 16>, scalar_prefetch = 0 : i64, scratch_operands = 13 : i64, tpu.core_type = #tpu.core_type<sc_vector_subcore>, window_params = [{transform_indices = #map}, {transform_indices = #map}, {transform_indices = #map1}, {transform_indices = #map1}]} {
    %mul3A = arith.constant 16 : i32
    %mul3A_0 = arith.muli %arg0, %mul3A : i32
    %add3A = arith.addi %mul3A_0, %arg1 : i32
    %mul3A_1 = arith.constant 628 : i32
    %mul3A_2 = arith.muli %arg1, %mul3A_1 : i32
    %mul3A_3 = arith.constant 10000 : i32
    %mul3A_4 = arith.muli %add3A, %mul3A_3 : i32
    %broadcast_in_dim3A = arith.constant 0.000000e+00 : f32
    %broadcast_in_dim3A_5 = vector.broadcast %broadcast_in_dim3A : f32 to vector<16xf32>
    %scan3A = arith.constant 0 : i32
    %scan3A_6 = arith.constant 128 : i32
    %scan3A_7 = arith.addi %scan3A, %scan3A_6 : i32
    %scan3A_8 = arith.constant 1 : i32
    scf.for %scan3A_74 = %scan3A to %scan3A_7 step %scan3A_8  : i32 {
      %mul3A_75 = arith.constant 1 : i32
      %mul3A_76 = arith.muli %scan3A_74, %mul3A_75 : i32
      %add3A_77 = arith.constant 0 : i32
      %add3A_78 = arith.addi %add3A_77, %mul3A_76 : i32
      %swap3A = arith.index_cast %add3A_78 : i32 to index
      %swap3A_79 = arith.constant 0 : index
      %swap3A_80 = tpu.vector_load %arg9[%swap3A, %swap3A_79] {strides = array<i32>} : memref<128x128xf32, #tpu.memory_space<vmem>>, vector<1x16xf32>,
      %swap3A_81 = vector.shape_cast %swap3A_80 : vector<1x16xf32> to vector<16xf32>
      %swap3A_82 = vector.shape_cast %broadcast_in_dim3A_5 : vector<16xf32> to vector<1x16xf32>
      tpu.vector_store %arg9[%swap3A, %swap3A_79], %swap3A_82 {strides = array<i32>} : memref<128x128xf32, #tpu.memory_space<vmem>>, vector<1x16xf32>,
      %swap3A_83 = arith.index_cast %add3A_78 : i32 to index
      %swap3A_84 = arith.constant 16 : index
      %swap3A_85 = tpu.vector_load %arg9[%swap3A_83, %swap3A_84] {strides = array<i32>} : memref<128x128xf32, #tpu.memory_space<vmem>>, vector<1x16xf32>,
      %swap3A_86 = vector.shape_cast %swap3A_85 : vector<1x16xf32> to vector<16xf32>
      %swap3A_87 = vector.shape_cast %broadcast_in_dim3A_5 : vector<16xf32> to vector<1x16xf32>
      tpu.vector_store %arg9[%swap3A_83, %swap3A_84], %swap3A_87 {strides = array<i32>} : memref<128x128xf32, #tpu.memory_space<vmem>>, vector<1x16xf32>,
      %swap3A_88 = arith.index_cast %add3A_78 : i32 to index
      %swap3A_89 = arith.constant 32 : index
      %swap3A_90 = tpu.vector_load %arg9[%swap3A_88, %swap3A_89] {strides = array<i32>} : memref<128x128xf32, #tpu.memory_space<vmem>>, vector<1x16xf32>,
      %swap3A_91 = vector.shape_cast %swap3A_90 : vector<1x16xf32> to vector<16xf32>
      %swap3A_92 = vector.shape_cast %broadcast_in_dim3A_5 : vector<16xf32> to vector<1x16xf32>
      tpu.vector_store %arg9[%swap3A_88, %swap3A_89], %swap3A_92 {strides = array<i32>} : memref<128x128xf32, #tpu.memory_space<vmem>>, vector<1x16xf32>,
      %swap3A_93 = arith.index_cast %add3A_78 : i32 to index
      %swap3A_94 = arith.constant 48 : index
      %swap3A_95 = tpu.vector_load %arg9[%swap3A_93, %swap3A_94] {strides = array<i32>} : memref<128x128xf32, #tpu.memory_space<vmem>>, vector<1x16xf32>,
      %swap3A_96 = vector.shape_cast %swap3A_95 : vector<1x16xf32> to vector<16xf32>
      %swap3A_97 = vector.shape_cast %broadcast_in_dim3A_5 : vector<16xf32> to vector<1x16xf32>
      tpu.vector_store %arg9[%swap3A_93, %swap3A_94], %swap3A_97 {strides = array<i32>} : memref<128x128xf32, #tpu.memory_space<vmem>>, vector<1x16xf32>,
      %swap3A_98 = arith.index_cast %add3A_78 : i32 to index
      %swap3A_99 = arith.constant 64 : index
      %swap3A_100 = tpu.vector_load %arg9[%swap3A_98, %swap3A_99] {strides = array<i32>} : memref<128x128xf32, #tpu.memory_space<vmem>>, vector<1x16xf32>,
      %swap3A_101 = vector.shape_cast %swap3A_100 : vector<1x16xf32> to vector<16xf32>
      %swap3A_102 = vector.shape_cast %broadcast_in_dim3A_5 : vector<16xf32> to vector<1x16xf32>
      tpu.vector_store %arg9[%swap3A_98, %swap3A_99], %swap3A_102 {strides = array<i32>} : memref<128x128xf32, #tpu.memory_space<vmem>>, vector<1x16xf32>,
      %swap3A_103 = arith.index_cast %add3A_78 : i32 to index
      %swap3A_104 = arith.constant 80 : index
      %swap3A_105 = tpu.vector_load %arg9[%swap3A_103, %swap3A_104] {strides = array<i32>} : memref<128x128xf32, #tpu.memory_space<vmem>>, vector<1x16xf32>,
      %swap3A_106 = vector.shape_cast %swap3A_105 : vector<1x16xf32> to vector<16xf32>
      %swap3A_107 = vector.shape_cast %broadcast_in_dim3A_5 : vector<16xf32> to vector<1x16xf32>
      tpu.vector_store %arg9[%swap3A_103, %swap3A_104], %swap3A_107 {strides = array<i32>} : memref<128x128xf32, #tpu.memory_space<vmem>>, vector<1x16xf32>,
      %swap3A_108 = arith.index_cast %add3A_78 : i32 to index
      %swap3A_109 = arith.constant 96 : index
      %swap3A_110 = tpu.vector_load %arg9[%swap3A_108, %swap3A_109] {strides = array<i32>} : memref<128x128xf32, #tpu.memory_space<vmem>>, vector<1x16xf32>,
      %swap3A_111 = vector.shape_cast %swap3A_110 : vector<1x16xf32> to vector<16xf32>
      %swap3A_112 = vector.shape_cast %broadcast_in_dim3A_5 : vector<16xf32> to vector<1x16xf32>
      tpu.vector_store %arg9[%swap3A_108, %swap3A_109], %swap3A_112 {strides = array<i32>} : memref<128x128xf32, #tpu.memory_space<vmem>>, vector<1x16xf32>,
      %swap3A_113 = arith.index_cast %add3A_78 : i32 to index
      %swap3A_114 = arith.constant 112 : index
      %swap3A_115 = tpu.vector_load %arg9[%swap3A_113, %swap3A_114] {strides = array<i32>} : memref<128x128xf32, #tpu.memory_space<vmem>>, vector<1x16xf32>,
      %swap3A_116 = vector.shape_cast %swap3A_115 : vector<1x16xf32> to vector<16xf32>
      %swap3A_117 = vector.shape_cast %broadcast_in_dim3A_5 : vector<16xf32> to vector<1x16xf32>
      tpu.vector_store %arg9[%swap3A_113, %swap3A_114], %swap3A_117 {strides = array<i32>} : memref<128x128xf32, #tpu.memory_space<vmem>>, vector<1x16xf32>,
    }
    %scan3A_9 = arith.constant 128 : i32
    %add3A_10 = arith.constant 0 : i32
    %add3A_11 = arith.addi %mul3A_2, %add3A_10 : i32
    "tpu.region"() ({
      %run_scoped3A_74 = tpu.sem_alloc : memref<!tpu.dma_semaphore, #tpu.memory_space<semaphore_mem>>
      %dma_start3A_75 = arith.constant 0 : i32
      %dma_start3A_76 = tpu.memref_slice %arg13[%add3A_11, %dma_start3A_75] : memref<10048x128xf32, #tpu.memory_space<vmem_shared>> -> memref<128x128xf32, #tpu.memory_space<vmem_shared>>
      %dma_start3A_77 = arith.constant 0 : i32
      %dma_start3A_78 = tpu.memref_slice %arg13[%add3A_11, %dma_start3A_77] : memref<10048x128xf32, #tpu.memory_space<vmem_shared>> -> memref<128x128xf32, #tpu.memory_space<vmem_shared>>
      tpu.enqueue_dma source(%arg9 : memref<128x128xf32, #tpu.memory_space<vmem>>) target(%dma_start3A_78 : memref<128x128xf32, #tpu.memory_space<vmem_shared>>) target_semaphore(%run_scoped3A_74 : memref<!tpu.dma_semaphore, #tpu.memory_space<semaphore_mem>>)
      %dma_wait3A = arith.constant 0 : i32
      %dma_wait3A_79 = tpu.memref_slice %arg13[%add3A_11, %dma_wait3A] : memref<10048x128xf32, #tpu.memory_space<vmem_shared>> -> memref<128x128xf32, #tpu.memory_space<vmem_shared>>
      %dma_wait3A_80 = arith.constant 0 : i32
      %dma_wait3A_81 = tpu.memref_slice %arg13[%add3A_11, %dma_wait3A_80] : memref<10048x128xf32, #tpu.memory_space<vmem_shared>> -> memref<128x128xf32, #tpu.memory_space<vmem_shared>>
      tpu.wait_dma2 semaphore(%run_scoped3A_74 : memref<!tpu.dma_semaphore, #tpu.memory_space<semaphore_mem>>) src(%arg9 : memref<128x128xf32, #tpu.memory_space<vmem>>) dst(%dma_wait3A_81 : memref<128x128xf32, #tpu.memory_space<vmem_shared>>)
      tpu.yield
    }) : () -> ()
    %add3A_12 = arith.constant 128 : i32
    %add3A_13 = arith.addi %mul3A_2, %add3A_12 : i32
    "tpu.region"() ({
      %run_scoped3A_74 = tpu.sem_alloc : memref<!tpu.dma_semaphore, #tpu.memory_space<semaphore_mem>>
      %dma_start3A_75 = arith.constant 0 : i32
      %dma_start3A_76 = tpu.memref_slice %arg13[%add3A_13, %dma_start3A_75] : memref<10048x128xf32, #tpu.memory_space<vmem_shared>> -> memref<128x128xf32, #tpu.memory_space<vmem_shared>>
      %dma_start3A_77 = arith.constant 0 : i32
      %dma_start3A_78 = tpu.memref_slice %arg13[%add3A_13, %dma_start3A_77] : memref<10048x128xf32, #tpu.memory_space<vmem_shared>> -> memref<128x128xf32, #tpu.memory_space<vmem_shared>>
      tpu.enqueue_dma source(%arg9 : memref<128x128xf32, #tpu.memory_space<vmem>>) target(%dma_start3A_78 : memref<128x128xf32, #tpu.memory_space<vmem_shared>>) target_semaphore(%run_scoped3A_74 : memref<!tpu.dma_semaphore, #tpu.memory_space<semaphore_mem>>)
      %dma_wait3A = arith.constant 0 : i32
      %dma_wait3A_79 = tpu.memref_slice %arg13[%add3A_13, %dma_wait3A] : memref<10048x128xf32, #tpu.memory_space<vmem_shared>> -> memref<128x128xf32, #tpu.memory_space<vmem_shared>>
      %dma_wait3A_80 = arith.constant 0 : i32
      %dma_wait3A_81 = tpu.memref_slice %arg13[%add3A_13, %dma_wait3A_80] : memref<10048x128xf32, #tpu.memory_space<vmem_shared>> -> memref<128x128xf32, #tpu.memory_space<vmem_shared>>
      tpu.wait_dma2 semaphore(%run_scoped3A_74 : memref<!tpu.dma_semaphore, #tpu.memory_space<semaphore_mem>>) src(%arg9 : memref<128x128xf32, #tpu.memory_space<vmem>>) dst(%dma_wait3A_81 : memref<128x128xf32, #tpu.memory_space<vmem_shared>>)
      tpu.yield
    }) : () -> ()
    %add3A_14 = arith.constant 256 : i32
    %add3A_15 = arith.addi %mul3A_2, %add3A_14 : i32
    "tpu.region"() ({
      %run_scoped3A_74 = tpu.sem_alloc : memref<!tpu.dma_semaphore, #tpu.memory_space<semaphore_mem>>
      %dma_start3A_75 = arith.constant 0 : i32
      %dma_start3A_76 = tpu.memref_slice %arg13[%add3A_15, %dma_start3A_75] : memref<10048x128xf32, #tpu.memory_space<vmem_shared>> -> memref<128x128xf32, #tpu.memory_space<vmem_shared>>
      %dma_start3A_77 = arith.constant 0 : i32
      %dma_start3A_78 = tpu.memref_slice %arg13[%add3A_15, %dma_start3A_77] : memref<10048x128xf32, #tpu.memory_space<vmem_shared>> -> memref<128x128xf32, #tpu.memory_space<vmem_shared>>
      tpu.enqueue_dma source(%arg9 : memref<128x128xf32, #tpu.memory_space<vmem>>) target(%dma_start3A_78 : memref<128x128xf32, #tpu.memory_space<vmem_shared>>) target_semaphore(%run_scoped3A_74 : memref<!tpu.dma_semaphore, #tpu.memory_space<semaphore_mem>>)
      %dma_wait3A = arith.constant 0 : i32
      %dma_wait3A_79 = tpu.memref_slice %arg13[%add3A_15, %dma_wait3A] : memref<10048x128xf32, #tpu.memory_space<vmem_shared>> -> memref<128x128xf32, #tpu.memory_space<vmem_shared>>
      %dma_wait3A_80 = arith.constant 0 : i32
      %dma_wait3A_81 = tpu.memref_slice %arg13[%add3A_15, %dma_wait3A_80] : memref<10048x128xf32, #tpu.memory_space<vmem_shared>> -> memref<128x128xf32, #tpu.memory_space<vmem_shared>>
      tpu.wait_dma2 semaphore(%run_scoped3A_74 : memref<!tpu.dma_semaphore, #tpu.memory_space<semaphore_mem>>) src(%arg9 : memref<128x128xf32, #tpu.memory_space<vmem>>) dst(%dma_wait3A_81 : memref<128x128xf32, #tpu.memory_space<vmem_shared>>)
      tpu.yield
    }) : () -> ()
    %add3A_16 = arith.constant 384 : i32
    %add3A_17 = arith.addi %mul3A_2, %add3A_16 : i32
    "tpu.region"() ({
      %run_scoped3A_74 = tpu.sem_alloc : memref<!tpu.dma_semaphore, #tpu.memory_space<semaphore_mem>>
      %dma_start3A_75 = arith.constant 0 : i32
      %dma_start3A_76 = tpu.memref_slice %arg13[%add3A_17, %dma_start3A_75] : memref<10048x128xf32, #tpu.memory_space<vmem_shared>> -> memref<128x128xf32, #tpu.memory_space<vmem_shared>>
      %dma_start3A_77 = arith.constant 0 : i32
      %dma_start3A_78 = tpu.memref_slice %arg13[%add3A_17, %dma_start3A_77] : memref<10048x128xf32, #tpu.memory_space<vmem_shared>> -> memref<128x128xf32, #tpu.memory_space<vmem_shared>>
      tpu.enqueue_dma source(%arg9 : memref<128x128xf32, #tpu.memory_space<vmem>>) target(%dma_start3A_78 : memref<128x128xf32, #tpu.memory_space<vmem_shared>>) target_semaphore(%run_scoped3A_74 : memref<!tpu.dma_semaphore, #tpu.memory_space<semaphore_mem>>)
      %dma_wait3A = arith.constant 0 : i32
      %dma_wait3A_79 = tpu.memref_slice %arg13[%add3A_17, %dma_wait3A] : memref<10048x128xf32, #tpu.memory_space<vmem_shared>> -> memref<128x128xf32, #tpu.memory_space<vmem_shared>>
      %dma_wait3A_80 = arith.constant 0 : i32
      %dma_wait3A_81 = tpu.memref_slice %arg13[%add3A_17, %dma_wait3A_80] : memref<10048x128xf32, #tpu.memory_space<vmem_shared>> -> memref<128x128xf32, #tpu.memory_space<vmem_shared>>
      tpu.wait_dma2 semaphore(%run_scoped3A_74 : memref<!tpu.dma_semaphore, #tpu.memory_space<semaphore_mem>>) src(%arg9 : memref<128x128xf32, #tpu.memory_space<vmem>>) dst(%dma_wait3A_81 : memref<128x128xf32, #tpu.memory_space<vmem_shared>>)
      tpu.yield
    }) : () -> ()
    %add3A_18 = arith.constant 512 : i32
    %add3A_19 = arith.addi %mul3A_2, %add3A_18 : i32
    "tpu.region"() ({
      %run_scoped3A_74 = tpu.sem_alloc : memref<!tpu.dma_semaphore, #tpu.memory_space<semaphore_mem>>
      %dma_start3A_75 = arith.constant 0 : i32
      %dma_start3A_76 = arith.constant 0 : i32
      %dma_start3A_77 = tpu.memref_slice %arg9[%dma_start3A_75, %dma_start3A_76] : memref<128x128xf32, #tpu.memory_space<vmem>> -> memref<116x128xf32, #tpu.memory_space<vmem>>
      %dma_start3A_78 = arith.constant 0 : i32
      %dma_start3A_79 = tpu.memref_slice %arg13[%add3A_19, %dma_start3A_78] : memref<10048x128xf32, #tpu.memory_space<vmem_shared>> -> memref<116x128xf32, #tpu.memory_space<vmem_shared>>
      %dma_start3A_80 = arith.constant 0 : i32
      %dma_start3A_81 = tpu.memref_slice %arg13[%add3A_19, %dma_start3A_80] : memref<10048x128xf32, #tpu.memory_space<vmem_shared>> -> memref<116x128xf32, #tpu.memory_space<vmem_shared>>
      %dma_start3A_82 = arith.constant 0 : i32
      %dma_start3A_83 = arith.constant 0 : i32
      %dma_start3A_84 = tpu.memref_slice %arg9[%dma_start3A_82, %dma_start3A_83] : memref<128x128xf32, #tpu.memory_space<vmem>> -> memref<116x128xf32, #tpu.memory_space<vmem>>
      tpu.enqueue_dma source(%dma_start3A_84 : memref<116x128xf32, #tpu.memory_space<vmem>>) target(%dma_start3A_81 : memref<116x128xf32, #tpu.memory_space<vmem_shared>>) target_semaphore(%run_scoped3A_74 : memref<!tpu.dma_semaphore, #tpu.memory_space<semaphore_mem>>)
      %dma_wait3A = arith.constant 0 : i32
      %dma_wait3A_85 = arith.constant 0 : i32
      %dma_wait3A_86 = tpu.memref_slice %arg9[%dma_wait3A, %dma_wait3A_85] : memref<128x128xf32, #tpu.memory_space<vmem>> -> memref<116x128xf32, #tpu.memory_space<vmem>>
      %dma_wait3A_87 = arith.constant 0 : i32
      %dma_wait3A_88 = tpu.memref_slice %arg13[%add3A_19, %dma_wait3A_87] : memref<10048x128xf32, #tpu.memory_space<vmem_shared>> -> memref<116x128xf32, #tpu.memory_space<vmem_shared>>
      %dma_wait3A_89 = arith.constant 0 : i32
      %dma_wait3A_90 = tpu.memref_slice %arg13[%add3A_19, %dma_wait3A_89] : memref<10048x128xf32, #tpu.memory_space<vmem_shared>> -> memref<116x128xf32, #tpu.memory_space<vmem_shared>>
      %dma_wait3A_91 = arith.constant 0 : i32
      %dma_wait3A_92 = arith.constant 0 : i32
      %dma_wait3A_93 = tpu.memref_slice %arg9[%dma_wait3A_91, %dma_wait3A_92] : memref<128x128xf32, #tpu.memory_space<vmem>> -> memref<116x128xf32, #tpu.memory_space<vmem>>
      tpu.wait_dma2 semaphore(%run_scoped3A_74 : memref<!tpu.dma_semaphore, #tpu.memory_space<semaphore_mem>>) src(%dma_wait3A_93 : memref<116x128xf32, #tpu.memory_space<vmem>>) dst(%dma_wait3A_90 : memref<116x128xf32, #tpu.memory_space<vmem_shared>>)
      tpu.yield
    }) : () -> ()
    %scan3A_20 = arith.constant 0 : i32
    %scan3A_21 = arith.constant 128 : i32
    %scan3A_22 = arith.addi %scan3A_20, %scan3A_21 : i32
    %scan3A_23 = arith.constant 1 : i32
    scf.for %scan3A_74 = %scan3A_20 to %scan3A_22 step %scan3A_23  : i32 {
      %mul3A_75 = arith.constant 1 : i32
      %mul3A_76 = arith.muli %scan3A_74, %mul3A_75 : i32
      %add3A_77 = arith.constant 0 : i32
      %add3A_78 = arith.addi %add3A_77, %mul3A_76 : i32
      %swap3A = arith.index_cast %add3A_78 : i32 to index
      %swap3A_79 = arith.constant 0 : index
      %swap3A_80 = tpu.vector_load %arg11[%swap3A, %swap3A_79] {strides = array<i32>} : memref<128x16xf32, #tpu.memory_space<vmem>>, vector<1x16xf32>,
      %swap3A_81 = vector.shape_cast %swap3A_80 : vector<1x16xf32> to vector<16xf32>
      %swap3A_82 = vector.shape_cast %broadcast_in_dim3A_5 : vector<16xf32> to vector<1x16xf32>
      tpu.vector_store %arg11[%swap3A, %swap3A_79], %swap3A_82 {strides = array<i32>} : memref<128x16xf32, #tpu.memory_space<vmem>>, vector<1x16xf32>,
    }
    %scan3A_24 = arith.constant 128 : i32
    %add3A_25 = arith.constant 0 : i32
    %add3A_26 = arith.addi %mul3A_2, %add3A_25 : i32
    "tpu.region"() ({
      %run_scoped3A_74 = tpu.sem_alloc : memref<!tpu.dma_semaphore, #tpu.memory_space<semaphore_mem>>
      %dma_start3A_75 = arith.constant 0 : i32
      %dma_start3A_76 = tpu.memref_slice %arg14[%add3A_26, %dma_start3A_75] : memref<10048x16xf32, #tpu.memory_space<vmem_shared>> -> memref<128x16xf32, #tpu.memory_space<vmem_shared>>
      %dma_start3A_77 = arith.constant 0 : i32
      %dma_start3A_78 = tpu.memref_slice %arg14[%add3A_26, %dma_start3A_77] : memref<10048x16xf32, #tpu.memory_space<vmem_shared>> -> memref<128x16xf32, #tpu.memory_space<vmem_shared>>
      tpu.enqueue_dma source(%arg11 : memref<128x16xf32, #tpu.memory_space<vmem>>) target(%dma_start3A_78 : memref<128x16xf32, #tpu.memory_space<vmem_shared>>) target_semaphore(%run_scoped3A_74 : memref<!tpu.dma_semaphore, #tpu.memory_space<semaphore_mem>>)
      %dma_wait3A = arith.constant 0 : i32
      %dma_wait3A_79 = tpu.memref_slice %arg14[%add3A_26, %dma_wait3A] : memref<10048x16xf32, #tpu.memory_space<vmem_shared>> -> memref<128x16xf32, #tpu.memory_space<vmem_shared>>
      %dma_wait3A_80 = arith.constant 0 : i32
      %dma_wait3A_81 = tpu.memref_slice %arg14[%add3A_26, %dma_wait3A_80] : memref<10048x16xf32, #tpu.memory_space<vmem_shared>> -> memref<128x16xf32, #tpu.memory_space<vmem_shared>>
      tpu.wait_dma2 semaphore(%run_scoped3A_74 : memref<!tpu.dma_semaphore, #tpu.memory_space<semaphore_mem>>) src(%arg11 : memref<128x16xf32, #tpu.memory_space<vmem>>) dst(%dma_wait3A_81 : memref<128x16xf32, #tpu.memory_space<vmem_shared>>)
      tpu.yield
    }) : () -> ()
    %add3A_27 = arith.constant 128 : i32
    %add3A_28 = arith.addi %mul3A_2, %add3A_27 : i32
    "tpu.region"() ({
      %run_scoped3A_74 = tpu.sem_alloc : memref<!tpu.dma_semaphore, #tpu.memory_space<semaphore_mem>>
      %dma_start3A_75 = arith.constant 0 : i32
      %dma_start3A_76 = tpu.memref_slice %arg14[%add3A_28, %dma_start3A_75] : memref<10048x16xf32, #tpu.memory_space<vmem_shared>> -> memref<128x16xf32, #tpu.memory_space<vmem_shared>>
      %dma_start3A_77 = arith.constant 0 : i32
      %dma_start3A_78 = tpu.memref_slice %arg14[%add3A_28, %dma_start3A_77] : memref<10048x16xf32, #tpu.memory_space<vmem_shared>> -> memref<128x16xf32, #tpu.memory_space<vmem_shared>>
      tpu.enqueue_dma source(%arg11 : memref<128x16xf32, #tpu.memory_space<vmem>>) target(%dma_start3A_78 : memref<128x16xf32, #tpu.memory_space<vmem_shared>>) target_semaphore(%run_scoped3A_74 : memref<!tpu.dma_semaphore, #tpu.memory_space<semaphore_mem>>)
      %dma_wait3A = arith.constant 0 : i32
      %dma_wait3A_79 = tpu.memref_slice %arg14[%add3A_28, %dma_wait3A] : memref<10048x16xf32, #tpu.memory_space<vmem_shared>> -> memref<128x16xf32, #tpu.memory_space<vmem_shared>>
      %dma_wait3A_80 = arith.constant 0 : i32
      %dma_wait3A_81 = tpu.memref_slice %arg14[%add3A_28, %dma_wait3A_80] : memref<10048x16xf32, #tpu.memory_space<vmem_shared>> -> memref<128x16xf32, #tpu.memory_space<vmem_shared>>
      tpu.wait_dma2 semaphore(%run_scoped3A_74 : memref<!tpu.dma_semaphore, #tpu.memory_space<semaphore_mem>>) src(%arg11 : memref<128x16xf32, #tpu.memory_space<vmem>>) dst(%dma_wait3A_81 : memref<128x16xf32, #tpu.memory_space<vmem_shared>>)
      tpu.yield
    }) : () -> ()
    %add3A_29 = arith.constant 256 : i32
    %add3A_30 = arith.addi %mul3A_2, %add3A_29 : i32
    "tpu.region"() ({
      %run_scoped3A_74 = tpu.sem_alloc : memref<!tpu.dma_semaphore, #tpu.memory_space<semaphore_mem>>
      %dma_start3A_75 = arith.constant 0 : i32
      %dma_start3A_76 = tpu.memref_slice %arg14[%add3A_30, %dma_start3A_75] : memref<10048x16xf32, #tpu.memory_space<vmem_shared>> -> memref<128x16xf32, #tpu.memory_space<vmem_shared>>
      %dma_start3A_77 = arith.constant 0 : i32
      %dma_start3A_78 = tpu.memref_slice %arg14[%add3A_30, %dma_start3A_77] : memref<10048x16xf32, #tpu.memory_space<vmem_shared>> -> memref<128x16xf32, #tpu.memory_space<vmem_shared>>
      tpu.enqueue_dma source(%arg11 : memref<128x16xf32, #tpu.memory_space<vmem>>) target(%dma_start3A_78 : memref<128x16xf32, #tpu.memory_space<vmem_shared>>) target_semaphore(%run_scoped3A_74 : memref<!tpu.dma_semaphore, #tpu.memory_space<semaphore_mem>>)
      %dma_wait3A = arith.constant 0 : i32
      %dma_wait3A_79 = tpu.memref_slice %arg14[%add3A_30, %dma_wait3A] : memref<10048x16xf32, #tpu.memory_space<vmem_shared>> -> memref<128x16xf32, #tpu.memory_space<vmem_shared>>
      %dma_wait3A_80 = arith.constant 0 : i32
      %dma_wait3A_81 = tpu.memref_slice %arg14[%add3A_30, %dma_wait3A_80] : memref<10048x16xf32, #tpu.memory_space<vmem_shared>> -> memref<128x16xf32, #tpu.memory_space<vmem_shared>>
      tpu.wait_dma2 semaphore(%run_scoped3A_74 : memref<!tpu.dma_semaphore, #tpu.memory_space<semaphore_mem>>) src(%arg11 : memref<128x16xf32, #tpu.memory_space<vmem>>) dst(%dma_wait3A_81 : memref<128x16xf32, #tpu.memory_space<vmem_shared>>)
      tpu.yield
    }) : () -> ()
    %add3A_31 = arith.constant 384 : i32
    %add3A_32 = arith.addi %mul3A_2, %add3A_31 : i32
    "tpu.region"() ({
      %run_scoped3A_74 = tpu.sem_alloc : memref<!tpu.dma_semaphore, #tpu.memory_space<semaphore_mem>>
      %dma_start3A_75 = arith.constant 0 : i32
      %dma_start3A_76 = tpu.memref_slice %arg14[%add3A_32, %dma_start3A_75] : memref<10048x16xf32, #tpu.memory_space<vmem_shared>> -> memref<128x16xf32, #tpu.memory_space<vmem_shared>>
      %dma_start3A_77 = arith.constant 0 : i32
      %dma_start3A_78 = tpu.memref_slice %arg14[%add3A_32, %dma_start3A_77] : memref<10048x16xf32, #tpu.memory_space<vmem_shared>> -> memref<128x16xf32, #tpu.memory_space<vmem_shared>>
      tpu.enqueue_dma source(%arg11 : memref<128x16xf32, #tpu.memory_space<vmem>>) target(%dma_start3A_78 : memref<128x16xf32, #tpu.memory_space<vmem_shared>>) target_semaphore(%run_scoped3A_74 : memref<!tpu.dma_semaphore, #tpu.memory_space<semaphore_mem>>)
      %dma_wait3A = arith.constant 0 : i32
      %dma_wait3A_79 = tpu.memref_slice %arg14[%add3A_32, %dma_wait3A] : memref<10048x16xf32, #tpu.memory_space<vmem_shared>> -> memref<128x16xf32, #tpu.memory_space<vmem_shared>>
      %dma_wait3A_80 = arith.constant 0 : i32
      %dma_wait3A_81 = tpu.memref_slice %arg14[%add3A_32, %dma_wait3A_80] : memref<10048x16xf32, #tpu.memory_space<vmem_shared>> -> memref<128x16xf32, #tpu.memory_space<vmem_shared>>
      tpu.wait_dma2 semaphore(%run_scoped3A_74 : memref<!tpu.dma_semaphore, #tpu.memory_space<semaphore_mem>>) src(%arg11 : memref<128x16xf32, #tpu.memory_space<vmem>>) dst(%dma_wait3A_81 : memref<128x16xf32, #tpu.memory_space<vmem_shared>>)
      tpu.yield
    }) : () -> ()
    %add3A_33 = arith.constant 512 : i32
    %add3A_34 = arith.addi %mul3A_2, %add3A_33 : i32
    "tpu.region"() ({
      %run_scoped3A_74 = tpu.sem_alloc : memref<!tpu.dma_semaphore, #tpu.memory_space<semaphore_mem>>
      %dma_start3A_75 = arith.constant 0 : i32
      %dma_start3A_76 = arith.constant 0 : i32
      %dma_start3A_77 = tpu.memref_slice %arg11[%dma_start3A_75, %dma_start3A_76] : memref<128x16xf32, #tpu.memory_space<vmem>> -> memref<116x16xf32, #tpu.memory_space<vmem>>
      %dma_start3A_78 = arith.constant 0 : i32
      %dma_start3A_79 = tpu.memref_slice %arg14[%add3A_34, %dma_start3A_78] : memref<10048x16xf32, #tpu.memory_space<vmem_shared>> -> memref<116x16xf32, #tpu.memory_space<vmem_shared>>
      %dma_start3A_80 = arith.constant 0 : i32
      %dma_start3A_81 = tpu.memref_slice %arg14[%add3A_34, %dma_start3A_80] : memref<10048x16xf32, #tpu.memory_space<vmem_shared>> -> memref<116x16xf32, #tpu.memory_space<vmem_shared>>
      %dma_start3A_82 = arith.constant 0 : i32
      %dma_start3A_83 = arith.constant 0 : i32
      %dma_start3A_84 = tpu.memref_slice %arg11[%dma_start3A_82, %dma_start3A_83] : memref<128x16xf32, #tpu.memory_space<vmem>> -> memref<116x16xf32, #tpu.memory_space<vmem>>
      tpu.enqueue_dma source(%dma_start3A_84 : memref<116x16xf32, #tpu.memory_space<vmem>>) target(%dma_start3A_81 : memref<116x16xf32, #tpu.memory_space<vmem_shared>>) target_semaphore(%run_scoped3A_74 : memref<!tpu.dma_semaphore, #tpu.memory_space<semaphore_mem>>)
      %dma_wait3A = arith.constant 0 : i32
      %dma_wait3A_85 = arith.constant 0 : i32
      %dma_wait3A_86 = tpu.memref_slice %arg11[%dma_wait3A, %dma_wait3A_85] : memref<128x16xf32, #tpu.memory_space<vmem>> -> memref<116x16xf32, #tpu.memory_space<vmem>>
      %dma_wait3A_87 = arith.constant 0 : i32
      %dma_wait3A_88 = tpu.memref_slice %arg14[%add3A_34, %dma_wait3A_87] : memref<10048x16xf32, #tpu.memory_space<vmem_shared>> -> memref<116x16xf32, #tpu.memory_space<vmem_shared>>
      %dma_wait3A_89 = arith.constant 0 : i32
      %dma_wait3A_90 = tpu.memref_slice %arg14[%add3A_34, %dma_wait3A_89] : memref<10048x16xf32, #tpu.memory_space<vmem_shared>> -> memref<116x16xf32, #tpu.memory_space<vmem_shared>>
      %dma_wait3A_91 = arith.constant 0 : i32
      %dma_wait3A_92 = arith.constant 0 : i32
      %dma_wait3A_93 = tpu.memref_slice %arg11[%dma_wait3A_91, %dma_wait3A_92] : memref<128x16xf32, #tpu.memory_space<vmem>> -> memref<116x16xf32, #tpu.memory_space<vmem>>
      tpu.wait_dma2 semaphore(%run_scoped3A_74 : memref<!tpu.dma_semaphore, #tpu.memory_space<semaphore_mem>>) src(%dma_wait3A_93 : memref<116x16xf32, #tpu.memory_space<vmem>>) dst(%dma_wait3A_90 : memref<116x16xf32, #tpu.memory_space<vmem_shared>>)
      tpu.yield
    }) : () -> ()
    %broadcast_in_dim3A_35 = arith.constant 1.000000e+00 : f32
    %broadcast_in_dim3A_36 = vector.broadcast %broadcast_in_dim3A_35 : f32 to vector<16xf32>
    %scan3A_37 = arith.constant 0 : i32
    %scan3A_38 = arith.constant 128 : i32
    %scan3A_39 = arith.addi %scan3A_37, %scan3A_38 : i32
    %scan3A_40 = arith.constant 1 : i32
    scf.for %scan3A_74 = %scan3A_37 to %scan3A_39 step %scan3A_40  : i32 {
      %mul3A_75 = arith.constant 1 : i32
      %mul3A_76 = arith.muli %scan3A_74, %mul3A_75 : i32
      %add3A_77 = arith.constant 0 : i32
      %add3A_78 = arith.addi %add3A_77, %mul3A_76 : i32
      %swap3A = arith.index_cast %add3A_78 : i32 to index
      %swap3A_79 = arith.constant 0 : index
      %swap3A_80 = tpu.vector_load %arg11[%swap3A, %swap3A_79] {strides = array<i32>} : memref<128x16xf32, #tpu.memory_space<vmem>>, vector<1x16xf32>,
      %swap3A_81 = vector.shape_cast %swap3A_80 : vector<1x16xf32> to vector<16xf32>
      %swap3A_82 = vector.shape_cast %broadcast_in_dim3A_36 : vector<16xf32> to vector<1x16xf32>
      tpu.vector_store %arg11[%swap3A, %swap3A_79], %swap3A_82 {strides = array<i32>} : memref<128x16xf32, #tpu.memory_space<vmem>>, vector<1x16xf32>,
    }
    %scan3A_41 = arith.constant 128 : i32
    %barrier3A = arith.constant 0 : index
    tpu.barrier barrier_id(%barrier3A)
    "tpu.region"() ({
      %run_scoped3A_74 = tpu.sem_alloc : memref<!tpu.dma_semaphore, #tpu.memory_space<semaphore_mem>>
      %dma_start3A_75 = arith.constant 0 : i32
      %dma_start3A_76 = tpu.memref_slice %arg3[%dma_start3A_75, %mul3A_4] : memref<2x320000xi32, #tpu.memory_space<hbm>> -> memref<2x128xi32, #tpu.memory_space<hbm>>
      %dma_start3A_77 = arith.constant 0 : i32
      %dma_start3A_78 = tpu.memref_slice %arg3[%dma_start3A_77, %mul3A_4] : memref<2x320000xi32, #tpu.memory_space<hbm>> -> memref<2x128xi32, #tpu.memory_space<hbm>>
      tpu.enqueue_dma source(%dma_start3A_78 : memref<2x128xi32, #tpu.memory_space<hbm>>) target(%arg6 : memref<2x128xi32, #tpu.memory_space<vmem>>) target_semaphore(%run_scoped3A_74 : memref<!tpu.dma_semaphore, #tpu.memory_space<semaphore_mem>>)
      %dma_wait3A = arith.constant 0 : i32
      %dma_wait3A_79 = tpu.memref_slice %arg3[%dma_wait3A, %mul3A_4] : memref<2x320000xi32, #tpu.memory_space<hbm>> -> memref<2x128xi32, #tpu.memory_space<hbm>>
      %dma_wait3A_80 = arith.constant 0 : i32
      %dma_wait3A_81 = tpu.memref_slice %arg3[%dma_wait3A_80, %mul3A_4] : memref<2x320000xi32, #tpu.memory_space<hbm>> -> memref<2x128xi32, #tpu.memory_space<hbm>>
      tpu.wait_dma2 semaphore(%run_scoped3A_74 : memref<!tpu.dma_semaphore, #tpu.memory_space<semaphore_mem>>) src(%dma_wait3A_81 : memref<2x128xi32, #tpu.memory_space<hbm>>) dst(%arg6 : memref<2x128xi32, #tpu.memory_space<vmem>>)
      tpu.yield
    }) : () -> ()
    %dma_start3A = arith.constant 0 : i32
    %dma_start3A_42 = arith.constant 0 : i32
    %dma_start3A_43 = tpu.memref_slice %arg6[%dma_start3A, %dma_start3A_42] : memref<2x128xi32, #tpu.memory_space<vmem>> -> memref<1x128xi32, #tpu.memory_space<vmem>>
    %dma_start3A_44 = tpu.memref_squeeze %dma_start3A_43 : memref<1x128xi32, #tpu.memory_space<vmem>> -> memref<128xi32, #tpu.memory_space<vmem>>
    %dma_start3A_45 = arith.constant 0 : i32
    %dma_start3A_46 = arith.constant 0 : i32
    %dma_start3A_47 = tpu.memref_slice %arg2[%dma_start3A_45, %dma_start3A_46] : memref<10000x128xf32, #tpu.memory_space<hbm>> -> memref<10000x128xf32, #tpu.memory_space<hbm>>
    tpu.enqueue_indirect_dma source(%dma_start3A_47 : memref<10000x128xf32, #tpu.memory_space<hbm>>) target(%arg9 : memref<128x128xf32, #tpu.memory_space<vmem>>) offsets(%dma_start3A_44 : memref<128xi32, #tpu.memory_space<vmem>>) semaphore(%arg15 : memref<!tpu.dma_semaphore, #tpu.memory_space<semaphore_mem>>)
    %add3A_48 = arith.constant 128 : i32
    %add3A_49 = arith.addi %mul3A_4, %add3A_48 : i32
    %dma_start3A_50 = arith.constant 0 : i32
    %dma_start3A_51 = tpu.memref_slice %arg3[%dma_start3A_50, %add3A_49] : memref<2x320000xi32, #tpu.memory_space<hbm>> -> memref<2x128xi32, #tpu.memory_space<hbm>>
    %dma_start3A_52 = arith.constant 0 : i32
    %dma_start3A_53 = tpu.memref_slice %arg3[%dma_start3A_52, %add3A_49] : memref<2x320000xi32, #tpu.memory_space<hbm>> -> memref<2x128xi32, #tpu.memory_space<hbm>>
    tpu.enqueue_dma source(%dma_start3A_53 : memref<2x128xi32, #tpu.memory_space<hbm>>) target(%arg7 : memref<2x128xi32, #tpu.memory_space<vmem>>) target_semaphore(%arg18 : memref<!tpu.dma_semaphore, #tpu.memory_space<semaphore_mem>>)
    %scan3A_54 = arith.constant 0 : i32
    %scan3A_55 = arith.constant 39 : i32
    %scan3A_56 = arith.addi %scan3A_54, %scan3A_55 : i32
    %scan3A_57 = arith.constant 1 : i32
    scf.for %scan3A_74 = %scan3A_54 to %scan3A_56 step %scan3A_57  : i32 {
      %mul3A_75 = arith.constant 1 : i32
      %mul3A_76 = arith.muli %scan3A_74, %mul3A_75 : i32
      %add3A_77 = arith.constant 0 : i32
      %add3A_78 = arith.addi %add3A_77, %mul3A_76 : i32
      %mul3A_79 = arith.constant 2 : i32
      %mul3A_80 = arith.muli %mul3A_79, %add3A_78 : i32
      %add3A_81 = arith.constant 0 : i32
      %add3A_82 = arith.addi %mul3A_80, %add3A_81 : i32
      %dma_wait3A = arith.constant 0 : i32
      %dma_wait3A_83 = arith.constant 0 : i32
      %dma_wait3A_84 = tpu.memref_slice %arg6[%dma_wait3A, %dma_wait3A_83] : memref<2x128xi32, #tpu.memory_space<vmem>> -> memref<1x128xi32, #tpu.memory_space<vmem>>
      %dma_wait3A_85 = tpu.memref_squeeze %dma_wait3A_84 : memref<1x128xi32, #tpu.memory_space<vmem>> -> memref<128xi32, #tpu.memory_space<vmem>>
      %dma_wait3A_86 = arith.constant 0 : i32
      %dma_wait3A_87 = arith.constant 0 : i32
      %dma_wait3A_88 = tpu.memref_slice %arg2[%dma_wait3A_86, %dma_wait3A_87] : memref<10000x128xf32, #tpu.memory_space<hbm>> -> memref<10000x128xf32, #tpu.memory_space<hbm>>
      tpu.wait_indirect_dma semaphore(%arg15 : memref<!tpu.dma_semaphore, #tpu.memory_space<semaphore_mem>>) src(%dma_wait3A_88 : memref<10000x128xf32, #tpu.memory_space<hbm>>) dst(%arg9 : memref<128x128xf32, #tpu.memory_space<vmem>>)
      %lt3A = arith.constant 77 : i32
      %lt3A_89 = arith.cmpi slt, %add3A_82, %lt3A : i32
      %convert_element_type3A = arith.extui %lt3A_89 : i1 to i32
      %cond3A = arith.constant 0 : i32
      %cond3A_90 = arith.cmpi ne, %convert_element_type3A, %cond3A : i32
      scf.if %cond3A_90 {
        %dma_wait3A_121 = arith.constant 0 : i32
        %dma_wait3A_122 = arith.constant 0 : i32
        %dma_wait3A_123 = tpu.memref_slice %arg3[%dma_wait3A_121, %dma_wait3A_122] : memref<2x320000xi32, #tpu.memory_space<hbm>> -> memref<2x128xi32, #tpu.memory_space<hbm>>
        %dma_wait3A_124 = arith.constant 0 : i32
        %dma_wait3A_125 = arith.constant 0 : i32
        %dma_wait3A_126 = tpu.memref_slice %arg3[%dma_wait3A_124, %dma_wait3A_125] : memref<2x320000xi32, #tpu.memory_space<hbm>> -> memref<2x128xi32, #tpu.memory_space<hbm>>
        tpu.wait_dma2 semaphore(%arg18 : memref<!tpu.dma_semaphore, #tpu.memory_space<semaphore_mem>>) src(%dma_wait3A_126 : memref<2x128xi32, #tpu.memory_space<hbm>>) dst(%arg7 : memref<2x128xi32, #tpu.memory_space<vmem>>)
        %dma_start3A_127 = arith.constant 0 : i32
        %dma_start3A_128 = arith.constant 0 : i32
        %dma_start3A_129 = tpu.memref_slice %arg7[%dma_start3A_127, %dma_start3A_128] : memref<2x128xi32, #tpu.memory_space<vmem>> -> memref<1x128xi32, #tpu.memory_space<vmem>>
        %dma_start3A_130 = tpu.memref_squeeze %dma_start3A_129 : memref<1x128xi32, #tpu.memory_space<vmem>> -> memref<128xi32, #tpu.memory_space<vmem>>
        %dma_start3A_131 = arith.constant 0 : i32
        %dma_start3A_132 = arith.constant 0 : i32
        %dma_start3A_133 = tpu.memref_slice %arg2[%dma_start3A_131, %dma_start3A_132] : memref<10000x128xf32, #tpu.memory_space<hbm>> -> memref<10000x128xf32, #tpu.memory_space<hbm>>
        tpu.enqueue_indirect_dma source(%dma_start3A_133 : memref<10000x128xf32, #tpu.memory_space<hbm>>) target(%arg10 : memref<128x128xf32, #tpu.memory_space<vmem>>) offsets(%dma_start3A_130 : memref<128xi32, #tpu.memory_space<vmem>>) semaphore(%arg16 : memref<!tpu.dma_semaphore, #tpu.memory_space<semaphore_mem>>)
      } else {
      }
      %run_scoped3A_91 = arith.constant 1 : i32
      "tpu.region"() ({
        %run_scoped3A_121 = tpu.sem_alloc : memref<!tpu.dma_semaphore, #tpu.memory_space<semaphore_mem>>
        %dma_start3A_122 = arith.constant 0 : i32
        %dma_start3A_123 = tpu.memref_slice %arg6[%run_scoped3A_91, %dma_start3A_122] : memref<2x128xi32, #tpu.memory_space<vmem>> -> memref<1x128xi32, #tpu.memory_space<vmem>>
        %dma_start3A_124 = tpu.memref_squeeze %dma_start3A_123 : memref<1x128xi32, #tpu.memory_space<vmem>> -> memref<128xi32, #tpu.memory_space<vmem>>
        %dma_start3A_125 = arith.constant 0 : i32
        %dma_start3A_126 = arith.constant 0 : i32
        %dma_start3A_127 = tpu.memref_slice %arg13[%dma_start3A_125, %dma_start3A_126] : memref<10048x128xf32, #tpu.memory_space<vmem_shared>> -> memref<10048x128xf32, #tpu.memory_space<vmem_shared>>
        tpu.enqueue_indirect_dma source(%arg9 : memref<128x128xf32, #tpu.memory_space<vmem>>) target(%dma_start3A_127 : memref<10048x128xf32, #tpu.memory_space<vmem_shared>>) offsets(%dma_start3A_124 : memref<128xi32, #tpu.memory_space<vmem>>) semaphore(%run_scoped3A_121 : memref<!tpu.dma_semaphore, #tpu.memory_space<semaphore_mem>>) {add = true}
        %dma_wait3A_128 = arith.constant 0 : i32
        %dma_wait3A_129 = tpu.memref_slice %arg6[%run_scoped3A_91, %dma_wait3A_128] : memref<2x128xi32, #tpu.memory_space<vmem>> -> memref<1x128xi32, #tpu.memory_space<vmem>>
        %dma_wait3A_130 = tpu.memref_squeeze %dma_wait3A_129 : memref<1x128xi32, #tpu.memory_space<vmem>> -> memref<128xi32, #tpu.memory_space<vmem>>
        %dma_wait3A_131 = arith.constant 0 : i32
        %dma_wait3A_132 = arith.constant 0 : i32
        %dma_wait3A_133 = tpu.memref_slice %arg13[%dma_wait3A_131, %dma_wait3A_132] : memref<10048x128xf32, #tpu.memory_space<vmem_shared>> -> memref<10048x128xf32, #tpu.memory_space<vmem_shared>>
        tpu.wait_indirect_dma semaphore(%run_scoped3A_121 : memref<!tpu.dma_semaphore, #tpu.memory_space<semaphore_mem>>) src(%arg9 : memref<128x128xf32, #tpu.memory_space<vmem>>) dst(%dma_wait3A_133 : memref<10048x128xf32, #tpu.memory_space<vmem_shared>>)
        tpu.yield
      }) : () -> ()
      %run_scoped3A_92 = arith.constant 1 : i32
      "tpu.region"() ({
        %run_scoped3A_121 = tpu.sem_alloc : memref<!tpu.dma_semaphore, #tpu.memory_space<semaphore_mem>>
        %dma_start3A_122 = arith.constant 0 : i32
        %dma_start3A_123 = tpu.memref_slice %arg6[%run_scoped3A_92, %dma_start3A_122] : memref<2x128xi32, #tpu.memory_space<vmem>> -> memref<1x128xi32, #tpu.memory_space<vmem>>
        %dma_start3A_124 = tpu.memref_squeeze %dma_start3A_123 : memref<1x128xi32, #tpu.memory_space<vmem>> -> memref<128xi32, #tpu.memory_space<vmem>>
        %dma_start3A_125 = arith.constant 0 : i32
        %dma_start3A_126 = arith.constant 0 : i32
        %dma_start3A_127 = tpu.memref_slice %arg14[%dma_start3A_125, %dma_start3A_126] : memref<10048x16xf32, #tpu.memory_space<vmem_shared>> -> memref<10048x16xf32, #tpu.memory_space<vmem_shared>>
        tpu.enqueue_indirect_dma source(%arg11 : memref<128x16xf32, #tpu.memory_space<vmem>>) target(%dma_start3A_127 : memref<10048x16xf32, #tpu.memory_space<vmem_shared>>) offsets(%dma_start3A_124 : memref<128xi32, #tpu.memory_space<vmem>>) semaphore(%run_scoped3A_121 : memref<!tpu.dma_semaphore, #tpu.memory_space<semaphore_mem>>) {add = true}
        %dma_wait3A_128 = arith.constant 0 : i32
        %dma_wait3A_129 = tpu.memref_slice %arg6[%run_scoped3A_92, %dma_wait3A_128] : memref<2x128xi32, #tpu.memory_space<vmem>> -> memref<1x128xi32, #tpu.memory_space<vmem>>
        %dma_wait3A_130 = tpu.memref_squeeze %dma_wait3A_129 : memref<1x128xi32, #tpu.memory_space<vmem>> -> memref<128xi32, #tpu.memory_space<vmem>>
        %dma_wait3A_131 = arith.constant 0 : i32
        %dma_wait3A_132 = arith.constant 0 : i32
        %dma_wait3A_133 = tpu.memref_slice %arg14[%dma_wait3A_131, %dma_wait3A_132] : memref<10048x16xf32, #tpu.memory_space<vmem_shared>> -> memref<10048x16xf32, #tpu.memory_space<vmem_shared>>
        tpu.wait_indirect_dma semaphore(%run_scoped3A_121 : memref<!tpu.dma_semaphore, #tpu.memory_space<semaphore_mem>>) src(%arg11 : memref<128x16xf32, #tpu.memory_space<vmem>>) dst(%dma_wait3A_133 : memref<10048x16xf32, #tpu.memory_space<vmem_shared>>)
        tpu.yield
      }) : () -> ()
      %lt3A_93 = arith.constant 76 : i32
      %lt3A_94 = arith.cmpi slt, %add3A_82, %lt3A_93 : i32
      %convert_element_type3A_95 = arith.extui %lt3A_94 : i1 to i32
      %cond3A_96 = arith.constant 0 : i32
      %cond3A_97 = arith.cmpi ne, %convert_element_type3A_95, %cond3A_96 : i32
      scf.if %cond3A_97 {
        %add3A_121 = arith.constant 2 : i32
        %add3A_122 = arith.addi %add3A_82, %add3A_121 : i32
        %mul3A_123 = arith.constant 128 : i32
        %mul3A_124 = arith.muli %add3A_122, %mul3A_123 : i32
        %add3A_125 = arith.addi %mul3A_4, %mul3A_124 : i32
        %dma_start3A_126 = arith.constant 0 : i32
        %dma_start3A_127 = tpu.memref_slice %arg3[%dma_start3A_126, %add3A_125] : memref<2x320000xi32, #tpu.memory_space<hbm>> -> memref<2x128xi32, #tpu.memory_space<hbm>>
        %dma_start3A_128 = arith.constant 0 : i32
        %dma_start3A_129 = tpu.memref_slice %arg3[%dma_start3A_128, %add3A_125] : memref<2x320000xi32, #tpu.memory_space<hbm>> -> memref<2x128xi32, #tpu.memory_space<hbm>>
        tpu.enqueue_dma source(%dma_start3A_129 : memref<2x128xi32, #tpu.memory_space<hbm>>) target(%arg6 : memref<2x128xi32, #tpu.memory_space<vmem>>) target_semaphore(%arg17 : memref<!tpu.dma_semaphore, #tpu.memory_space<semaphore_mem>>)
      } else {
      }
      %mul3A_98 = arith.constant 2 : i32
      %mul3A_99 = arith.muli %mul3A_98, %add3A_78 : i32
      %add3A_100 = arith.constant 1 : i32
      %add3A_101 = arith.addi %mul3A_99, %add3A_100 : i32
      %dma_wait3A_102 = arith.constant 0 : i32
      %dma_wait3A_103 = arith.constant 0 : i32
      %dma_wait3A_104 = tpu.memref_slice %arg7[%dma_wait3A_102, %dma_wait3A_103] : memref<2x128xi32, #tpu.memory_space<vmem>> -> memref<1x128xi32, #tpu.memory_space<vmem>>
      %dma_wait3A_105 = tpu.memref_squeeze %dma_wait3A_104 : memref<1x128xi32, #tpu.memory_space<vmem>> -> memref<128xi32, #tpu.memory_space<vmem>>
      %dma_wait3A_106 = arith.constant 0 : i32
      %dma_wait3A_107 = arith.constant 0 : i32
      %dma_wait3A_108 = tpu.memref_slice %arg2[%dma_wait3A_106, %dma_wait3A_107] : memref<10000x128xf32, #tpu.memory_space<hbm>> -> memref<10000x128xf32, #tpu.memory_space<hbm>>
      tpu.wait_indirect_dma semaphore(%arg16 : memref<!tpu.dma_semaphore, #tpu.memory_space<semaphore_mem>>) src(%dma_wait3A_108 : memref<10000x128xf32, #tpu.memory_space<hbm>>) dst(%arg10 : memref<128x128xf32, #tpu.memory_space<vmem>>)
      %lt3A_109 = arith.constant 77 : i32
      %lt3A_110 = arith.cmpi slt, %add3A_101, %lt3A_109 : i32
      %convert_element_type3A_111 = arith.extui %lt3A_110 : i1 to i32
      %cond3A_112 = arith.constant 0 : i32
      %cond3A_113 = arith.cmpi ne, %convert_element_type3A_111, %cond3A_112 : i32
      scf.if %cond3A_113 {
        %dma_wait3A_121 = arith.constant 0 : i32
        %dma_wait3A_122 = arith.constant 0 : i32
        %dma_wait3A_123 = tpu.memref_slice %arg3[%dma_wait3A_121, %dma_wait3A_122] : memref<2x320000xi32, #tpu.memory_space<hbm>> -> memref<2x128xi32, #tpu.memory_space<hbm>>
        %dma_wait3A_124 = arith.constant 0 : i32
        %dma_wait3A_125 = arith.constant 0 : i32
        %dma_wait3A_126 = tpu.memref_slice %arg3[%dma_wait3A_124, %dma_wait3A_125] : memref<2x320000xi32, #tpu.memory_space<hbm>> -> memref<2x128xi32, #tpu.memory_space<hbm>>
        tpu.wait_dma2 semaphore(%arg17 : memref<!tpu.dma_semaphore, #tpu.memory_space<semaphore_mem>>) src(%dma_wait3A_126 : memref<2x128xi32, #tpu.memory_space<hbm>>) dst(%arg6 : memref<2x128xi32, #tpu.memory_space<vmem>>)
        %dma_start3A_127 = arith.constant 0 : i32
        %dma_start3A_128 = arith.constant 0 : i32
        %dma_start3A_129 = tpu.memref_slice %arg6[%dma_start3A_127, %dma_start3A_128] : memref<2x128xi32, #tpu.memory_space<vmem>> -> memref<1x128xi32, #tpu.memory_space<vmem>>
        %dma_start3A_130 = tpu.memref_squeeze %dma_start3A_129 : memref<1x128xi32, #tpu.memory_space<vmem>> -> memref<128xi32, #tpu.memory_space<vmem>>
        %dma_start3A_131 = arith.constant 0 : i32
        %dma_start3A_132 = arith.constant 0 : i32
        %dma_start3A_133 = tpu.memref_slice %arg2[%dma_start3A_131, %dma_start3A_132] : memref<10000x128xf32, #tpu.memory_space<hbm>> -> memref<10000x128xf32, #tpu.memory_space<hbm>>
        tpu.enqueue_indirect_dma source(%dma_start3A_133 : memref<10000x128xf32, #tpu.memory_space<hbm>>) target(%arg9 : memref<128x128xf32, #tpu.memory_space<vmem>>) offsets(%dma_start3A_130 : memref<128xi32, #tpu.memory_space<vmem>>) semaphore(%arg15 : memref<!tpu.dma_semaphore, #tpu.memory_space<semaphore_mem>>)
      } else {
      }
      %run_scoped3A_114 = arith.constant 1 : i32
      "tpu.region"() ({
        %run_scoped3A_121 = tpu.sem_alloc : memref<!tpu.dma_semaphore, #tpu.memory_space<semaphore_mem>>
        %dma_start3A_122 = arith.constant 0 : i32
        %dma_start3A_123 = tpu.memref_slice %arg7[%run_scoped3A_114, %dma_start3A_122] : memref<2x128xi32, #tpu.memory_space<vmem>> -> memref<1x128xi32, #tpu.memory_space<vmem>>
        %dma_start3A_124 = tpu.memref_squeeze %dma_start3A_123 : memref<1x128xi32, #tpu.memory_space<vmem>> -> memref<128xi32, #tpu.memory_space<vmem>>
        %dma_start3A_125 = arith.constant 0 : i32
        %dma_start3A_126 = arith.constant 0 : i32
        %dma_start3A_127 = tpu.memref_slice %arg13[%dma_start3A_125, %dma_start3A_126] : memref<10048x128xf32, #tpu.memory_space<vmem_shared>> -> memref<10048x128xf32, #tpu.memory_space<vmem_shared>>
        tpu.enqueue_indirect_dma source(%arg10 : memref<128x128xf32, #tpu.memory_space<vmem>>) target(%dma_start3A_127 : memref<10048x128xf32, #tpu.memory_space<vmem_shared>>) offsets(%dma_start3A_124 : memref<128xi32, #tpu.memory_space<vmem>>) semaphore(%run_scoped3A_121 : memref<!tpu.dma_semaphore, #tpu.memory_space<semaphore_mem>>) {add = true}
        %dma_wait3A_128 = arith.constant 0 : i32
        %dma_wait3A_129 = tpu.memref_slice %arg7[%run_scoped3A_114, %dma_wait3A_128] : memref<2x128xi32, #tpu.memory_space<vmem>> -> memref<1x128xi32, #tpu.memory_space<vmem>>
        %dma_wait3A_130 = tpu.memref_squeeze %dma_wait3A_129 : memref<1x128xi32, #tpu.memory_space<vmem>> -> memref<128xi32, #tpu.memory_space<vmem>>
        %dma_wait3A_131 = arith.constant 0 : i32
        %dma_wait3A_132 = arith.constant 0 : i32
        %dma_wait3A_133 = tpu.memref_slice %arg13[%dma_wait3A_131, %dma_wait3A_132] : memref<10048x128xf32, #tpu.memory_space<vmem_shared>> -> memref<10048x128xf32, #tpu.memory_space<vmem_shared>>
        tpu.wait_indirect_dma semaphore(%run_scoped3A_121 : memref<!tpu.dma_semaphore, #tpu.memory_space<semaphore_mem>>) src(%arg10 : memref<128x128xf32, #tpu.memory_space<vmem>>) dst(%dma_wait3A_133 : memref<10048x128xf32, #tpu.memory_space<vmem_shared>>)
        tpu.yield
      }) : () -> ()
      %run_scoped3A_115 = arith.constant 1 : i32
      "tpu.region"() ({
        %run_scoped3A_121 = tpu.sem_alloc : memref<!tpu.dma_semaphore, #tpu.memory_space<semaphore_mem>>
        %dma_start3A_122 = arith.constant 0 : i32
        %dma_start3A_123 = tpu.memref_slice %arg7[%run_scoped3A_115, %dma_start3A_122] : memref<2x128xi32, #tpu.memory_space<vmem>> -> memref<1x128xi32, #tpu.memory_space<vmem>>
        %dma_start3A_124 = tpu.memref_squeeze %dma_start3A_123 : memref<1x128xi32, #tpu.memory_space<vmem>> -> memref<128xi32, #tpu.memory_space<vmem>>
        %dma_start3A_125 = arith.constant 0 : i32
        %dma_start3A_126 = arith.constant 0 : i32
        %dma_start3A_127 = tpu.memref_slice %arg14[%dma_start3A_125, %dma_start3A_126] : memref<10048x16xf32, #tpu.memory_space<vmem_shared>> -> memref<10048x16xf32, #tpu.memory_space<vmem_shared>>
        tpu.enqueue_indirect_dma source(%arg11 : memref<128x16xf32, #tpu.memory_space<vmem>>) target(%dma_start3A_127 : memref<10048x16xf32, #tpu.memory_space<vmem_shared>>) offsets(%dma_start3A_124 : memref<128xi32, #tpu.memory_space<vmem>>) semaphore(%run_scoped3A_121 : memref<!tpu.dma_semaphore, #tpu.memory_space<semaphore_mem>>) {add = true}
        %dma_wait3A_128 = arith.constant 0 : i32
        %dma_wait3A_129 = tpu.memref_slice %arg7[%run_scoped3A_115, %dma_wait3A_128] : memref<2x128xi32, #tpu.memory_space<vmem>> -> memref<1x128xi32, #tpu.memory_space<vmem>>
        %dma_wait3A_130 = tpu.memref_squeeze %dma_wait3A_129 : memref<1x128xi32, #tpu.memory_space<vmem>> -> memref<128xi32, #tpu.memory_space<vmem>>
        %dma_wait3A_131 = arith.constant 0 : i32
        %dma_wait3A_132 = arith.constant 0 : i32
        %dma_wait3A_133 = tpu.memref_slice %arg14[%dma_wait3A_131, %dma_wait3A_132] : memref<10048x16xf32, #tpu.memory_space<vmem_shared>> -> memref<10048x16xf32, #tpu.memory_space<vmem_shared>>
        tpu.wait_indirect_dma semaphore(%run_scoped3A_121 : memref<!tpu.dma_semaphore, #tpu.memory_space<semaphore_mem>>) src(%arg11 : memref<128x16xf32, #tpu.memory_space<vmem>>) dst(%dma_wait3A_133 : memref<10048x16xf32, #tpu.memory_space<vmem_shared>>)
        tpu.yield
      }) : () -> ()
      %lt3A_116 = arith.constant 76 : i32
      %lt3A_117 = arith.cmpi slt, %add3A_101, %lt3A_116 : i32
      %convert_element_type3A_118 = arith.extui %lt3A_117 : i1 to i32
      %cond3A_119 = arith.constant 0 : i32
      %cond3A_120 = arith.cmpi ne, %convert_element_type3A_118, %cond3A_119 : i32
      scf.if %cond3A_120 {
        %add3A_121 = arith.constant 2 : i32
        %add3A_122 = arith.addi %add3A_101, %add3A_121 : i32
        %mul3A_123 = arith.constant 128 : i32
        %mul3A_124 = arith.muli %add3A_122, %mul3A_123 : i32
        %add3A_125 = arith.addi %mul3A_4, %mul3A_124 : i32
        %dma_start3A_126 = arith.constant 0 : i32
        %dma_start3A_127 = tpu.memref_slice %arg3[%dma_start3A_126, %add3A_125] : memref<2x320000xi32, #tpu.memory_space<hbm>> -> memref<2x128xi32, #tpu.memory_space<hbm>>
        %dma_start3A_128 = arith.constant 0 : i32
        %dma_start3A_129 = tpu.memref_slice %arg3[%dma_start3A_128, %add3A_125] : memref<2x320000xi32, #tpu.memory_space<hbm>> -> memref<2x128xi32, #tpu.memory_space<hbm>>
        tpu.enqueue_dma source(%dma_start3A_129 : memref<2x128xi32, #tpu.memory_space<hbm>>) target(%arg7 : memref<2x128xi32, #tpu.memory_space<vmem>>) target_semaphore(%arg18 : memref<!tpu.dma_semaphore, #tpu.memory_space<semaphore_mem>>)
      } else {
      }
    }
    %scan3A_58 = arith.constant 39 : i32
    %add3A_59 = arith.constant 9984 : i32
    %add3A_60 = arith.addi %mul3A_4, %add3A_59 : i32
    "tpu.region"() ({
      %run_scoped3A_74 = tpu.sem_alloc : memref<!tpu.dma_semaphore, #tpu.memory_space<semaphore_mem>>
      %dma_start3A_75 = arith.constant 0 : i32
      %dma_start3A_76 = tpu.memref_slice %arg3[%dma_start3A_75, %add3A_60] : memref<2x320000xi32, #tpu.memory_space<hbm>> -> memref<2x16xi32, #tpu.memory_space<hbm>>
      %dma_start3A_77 = arith.constant 0 : i32
      %dma_start3A_78 = tpu.memref_slice %arg3[%dma_start3A_77, %add3A_60] : memref<2x320000xi32, #tpu.memory_space<hbm>> -> memref<2x16xi32, #tpu.memory_space<hbm>>
      tpu.enqueue_dma source(%dma_start3A_78 : memref<2x16xi32, #tpu.memory_space<hbm>>) target(%arg8 : memref<2x16xi32, #tpu.memory_space<vmem>>) target_semaphore(%run_scoped3A_74 : memref<!tpu.dma_semaphore, #tpu.memory_space<semaphore_mem>>)
      %dma_wait3A = arith.constant 0 : i32
      %dma_wait3A_79 = tpu.memref_slice %arg3[%dma_wait3A, %add3A_60] : memref<2x320000xi32, #tpu.memory_space<hbm>> -> memref<2x16xi32, #tpu.memory_space<hbm>>
      %dma_wait3A_80 = arith.constant 0 : i32
      %dma_wait3A_81 = tpu.memref_slice %arg3[%dma_wait3A_80, %add3A_60] : memref<2x320000xi32, #tpu.memory_space<hbm>> -> memref<2x16xi32, #tpu.memory_space<hbm>>
      tpu.wait_dma2 semaphore(%run_scoped3A_74 : memref<!tpu.dma_semaphore, #tpu.memory_space<semaphore_mem>>) src(%dma_wait3A_81 : memref<2x16xi32, #tpu.memory_space<hbm>>) dst(%arg8 : memref<2x16xi32, #tpu.memory_space<vmem>>)
      tpu.yield
    }) : () -> ()
    %run_scoped3A = arith.constant 0 : i32
    "tpu.region"() ({
      %run_scoped3A_74 = tpu.sem_alloc : memref<!tpu.dma_semaphore, #tpu.memory_space<semaphore_mem>>
      %dma_start3A_75 = arith.constant 0 : i32
      %dma_start3A_76 = arith.constant 0 : i32
      %dma_start3A_77 = tpu.memref_slice %arg9[%dma_start3A_75, %dma_start3A_76] : memref<128x128xf32, #tpu.memory_space<vmem>> -> memref<16x128xf32, #tpu.memory_space<vmem>>
      %dma_start3A_78 = arith.constant 0 : i32
      %dma_start3A_79 = tpu.memref_slice %arg8[%run_scoped3A, %dma_start3A_78] : memref<2x16xi32, #tpu.memory_space<vmem>> -> memref<1x16xi32, #tpu.memory_space<vmem>>
      %dma_start3A_80 = tpu.memref_squeeze %dma_start3A_79 : memref<1x16xi32, #tpu.memory_space<vmem>> -> memref<16xi32, #tpu.memory_space<vmem>>
      %dma_start3A_81 = arith.constant 0 : i32
      %dma_start3A_82 = arith.constant 0 : i32
      %dma_start3A_83 = tpu.memref_slice %arg2[%dma_start3A_81, %dma_start3A_82] : memref<10000x128xf32, #tpu.memory_space<hbm>> -> memref<10000x128xf32, #tpu.memory_space<hbm>>
      tpu.enqueue_indirect_dma source(%dma_start3A_83 : memref<10000x128xf32, #tpu.memory_space<hbm>>) target(%dma_start3A_77 : memref<16x128xf32, #tpu.memory_space<vmem>>) offsets(%dma_start3A_80 : memref<16xi32, #tpu.memory_space<vmem>>) semaphore(%run_scoped3A_74 : memref<!tpu.dma_semaphore, #tpu.memory_space<semaphore_mem>>)
      %dma_wait3A = arith.constant 0 : i32
      %dma_wait3A_84 = arith.constant 0 : i32
      %dma_wait3A_85 = tpu.memref_slice %arg9[%dma_wait3A, %dma_wait3A_84] : memref<128x128xf32, #tpu.memory_space<vmem>> -> memref<16x128xf32, #tpu.memory_space<vmem>>
      %dma_wait3A_86 = arith.constant 0 : i32
      %dma_wait3A_87 = tpu.memref_slice %arg8[%run_scoped3A, %dma_wait3A_86] : memref<2x16xi32, #tpu.memory_space<vmem>> -> memref<1x16xi32, #tpu.memory_space<vmem>>
      %dma_wait3A_88 = tpu.memref_squeeze %dma_wait3A_87 : memref<1x16xi32, #tpu.memory_space<vmem>> -> memref<16xi32, #tpu.memory_space<vmem>>
      %dma_wait3A_89 = arith.constant 0 : i32
      %dma_wait3A_90 = arith.constant 0 : i32
      %dma_wait3A_91 = tpu.memref_slice %arg2[%dma_wait3A_89, %dma_wait3A_90] : memref<10000x128xf32, #tpu.memory_space<hbm>> -> memref<10000x128xf32, #tpu.memory_space<hbm>>
      tpu.wait_indirect_dma semaphore(%run_scoped3A_74 : memref<!tpu.dma_semaphore, #tpu.memory_space<semaphore_mem>>) src(%dma_wait3A_91 : memref<10000x128xf32, #tpu.memory_space<hbm>>) dst(%dma_wait3A_85 : memref<16x128xf32, #tpu.memory_space<vmem>>)
      tpu.yield
    }) : () -> ()
    %run_scoped3A_61 = arith.constant 1 : i32
    "tpu.region"() ({
      %run_scoped3A_74 = tpu.sem_alloc : memref<!tpu.dma_semaphore, #tpu.memory_space<semaphore_mem>>
      %dma_start3A_75 = arith.constant 0 : i32
      %dma_start3A_76 = arith.constant 0 : i32
      %dma_start3A_77 = tpu.memref_slice %arg9[%dma_start3A_75, %dma_start3A_76] : memref<128x128xf32, #tpu.memory_space<vmem>> -> memref<16x128xf32, #tpu.memory_space<vmem>>
      %dma_start3A_78 = arith.constant 0 : i32
      %dma_start3A_79 = tpu.memref_slice %arg8[%run_scoped3A_61, %dma_start3A_78] : memref<2x16xi32, #tpu.memory_space<vmem>> -> memref<1x16xi32, #tpu.memory_space<vmem>>
      %dma_start3A_80 = tpu.memref_squeeze %dma_start3A_79 : memref<1x16xi32, #tpu.memory_space<vmem>> -> memref<16xi32, #tpu.memory_space<vmem>>
      %dma_start3A_81 = arith.constant 0 : i32
      %dma_start3A_82 = arith.constant 0 : i32
      %dma_start3A_83 = tpu.memref_slice %arg13[%dma_start3A_81, %dma_start3A_82] : memref<10048x128xf32, #tpu.memory_space<vmem_shared>> -> memref<10048x128xf32, #tpu.memory_space<vmem_shared>>
      tpu.enqueue_indirect_dma source(%dma_start3A_77 : memref<16x128xf32, #tpu.memory_space<vmem>>) target(%dma_start3A_83 : memref<10048x128xf32, #tpu.memory_space<vmem_shared>>) offsets(%dma_start3A_80 : memref<16xi32, #tpu.memory_space<vmem>>) semaphore(%run_scoped3A_74 : memref<!tpu.dma_semaphore, #tpu.memory_space<semaphore_mem>>) {add = true}
      %dma_wait3A = arith.constant 0 : i32
      %dma_wait3A_84 = arith.constant 0 : i32
      %dma_wait3A_85 = tpu.memref_slice %arg9[%dma_wait3A, %dma_wait3A_84] : memref<128x128xf32, #tpu.memory_space<vmem>> -> memref<16x128xf32, #tpu.memory_space<vmem>>
      %dma_wait3A_86 = arith.constant 0 : i32
      %dma_wait3A_87 = tpu.memref_slice %arg8[%run_scoped3A_61, %dma_wait3A_86] : memref<2x16xi32, #tpu.memory_space<vmem>> -> memref<1x16xi32, #tpu.memory_space<vmem>>
      %dma_wait3A_88 = tpu.memref_squeeze %dma_wait3A_87 : memref<1x16xi32, #tpu.memory_space<vmem>> -> memref<16xi32, #tpu.memory_space<vmem>>
      %dma_wait3A_89 = arith.constant 0 : i32
      %dma_wait3A_90 = arith.constant 0 : i32
      %dma_wait3A_91 = tpu.memref_slice %arg13[%dma_wait3A_89, %dma_wait3A_90] : memref<10048x128xf32, #tpu.memory_space<vmem_shared>> -> memref<10048x128xf32, #tpu.memory_space<vmem_shared>>
      tpu.wait_indirect_dma semaphore(%run_scoped3A_74 : memref<!tpu.dma_semaphore, #tpu.memory_space<semaphore_mem>>) src(%dma_wait3A_85 : memref<16x128xf32, #tpu.memory_space<vmem>>) dst(%dma_wait3A_91 : memref<10048x128xf32, #tpu.memory_space<vmem_shared>>)
      tpu.yield
    }) : () -> ()
    %run_scoped3A_62 = arith.constant 1 : i32
    "tpu.region"() ({
      %run_scoped3A_74 = tpu.sem_alloc : memref<!tpu.dma_semaphore, #tpu.memory_space<semaphore_mem>>
      %dma_start3A_75 = arith.constant 0 : i32
      %dma_start3A_76 = arith.constant 0 : i32
      %dma_start3A_77 = tpu.memref_slice %arg11[%dma_start3A_75, %dma_start3A_76] : memref<128x16xf32, #tpu.memory_space<vmem>> -> memref<16x16xf32, #tpu.memory_space<vmem>>
      %dma_start3A_78 = arith.constant 0 : i32
      %dma_start3A_79 = tpu.memref_slice %arg8[%run_scoped3A_62, %dma_start3A_78] : memref<2x16xi32, #tpu.memory_space<vmem>> -> memref<1x16xi32, #tpu.memory_space<vmem>>
      %dma_start3A_80 = tpu.memref_squeeze %dma_start3A_79 : memref<1x16xi32, #tpu.memory_space<vmem>> -> memref<16xi32, #tpu.memory_space<vmem>>
      %dma_start3A_81 = arith.constant 0 : i32
      %dma_start3A_82 = arith.constant 0 : i32
      %dma_start3A_83 = tpu.memref_slice %arg14[%dma_start3A_81, %dma_start3A_82] : memref<10048x16xf32, #tpu.memory_space<vmem_shared>> -> memref<10048x16xf32, #tpu.memory_space<vmem_shared>>
      tpu.enqueue_indirect_dma source(%dma_start3A_77 : memref<16x16xf32, #tpu.memory_space<vmem>>) target(%dma_start3A_83 : memref<10048x16xf32, #tpu.memory_space<vmem_shared>>) offsets(%dma_start3A_80 : memref<16xi32, #tpu.memory_space<vmem>>) semaphore(%run_scoped3A_74 : memref<!tpu.dma_semaphore, #tpu.memory_space<semaphore_mem>>) {add = true}
      %dma_wait3A = arith.constant 0 : i32
      %dma_wait3A_84 = arith.constant 0 : i32
      %dma_wait3A_85 = tpu.memref_slice %arg11[%dma_wait3A, %dma_wait3A_84] : memref<128x16xf32, #tpu.memory_space<vmem>> -> memref<16x16xf32, #tpu.memory_space<vmem>>
      %dma_wait3A_86 = arith.constant 0 : i32
      %dma_wait3A_87 = tpu.memref_slice %arg8[%run_scoped3A_62, %dma_wait3A_86] : memref<2x16xi32, #tpu.memory_space<vmem>> -> memref<1x16xi32, #tpu.memory_space<vmem>>
      %dma_wait3A_88 = tpu.memref_squeeze %dma_wait3A_87 : memref<1x16xi32, #tpu.memory_space<vmem>> -> memref<16xi32, #tpu.memory_space<vmem>>
      %dma_wait3A_89 = arith.constant 0 : i32
      %dma_wait3A_90 = arith.constant 0 : i32
      %dma_wait3A_91 = tpu.memref_slice %arg14[%dma_wait3A_89, %dma_wait3A_90] : memref<10048x16xf32, #tpu.memory_space<vmem_shared>> -> memref<10048x16xf32, #tpu.memory_space<vmem_shared>>
      tpu.wait_indirect_dma semaphore(%run_scoped3A_74 : memref<!tpu.dma_semaphore, #tpu.memory_space<semaphore_mem>>) src(%dma_wait3A_85 : memref<16x16xf32, #tpu.memory_space<vmem>>) dst(%dma_wait3A_91 : memref<10048x16xf32, #tpu.memory_space<vmem_shared>>)
      tpu.yield
    }) : () -> ()
    %barrier3A_63 = arith.constant 0 : index
    tpu.barrier barrier_id(%barrier3A_63)
    %add3A_64 = arith.constant 0 : i32
    %add3A_65 = arith.addi %mul3A_2, %add3A_64 : i32
    "tpu.region"() ({
      %run_scoped3A_74 = tpu.sem_alloc : memref<!tpu.dma_semaphore, #tpu.memory_space<semaphore_mem>>
      %dma_start3A_75 = arith.constant 0 : i32
      %dma_start3A_76 = tpu.memref_slice %arg13[%add3A_65, %dma_start3A_75] : memref<10048x128xf32, #tpu.memory_space<vmem_shared>> -> memref<128x128xf32, #tpu.memory_space<vmem_shared>>
      %dma_start3A_77 = arith.constant 0 : i32
      %dma_start3A_78 = tpu.memref_slice %arg13[%add3A_65, %dma_start3A_77] : memref<10048x128xf32, #tpu.memory_space<vmem_shared>> -> memref<128x128xf32, #tpu.memory_space<vmem_shared>>
      tpu.enqueue_dma source(%dma_start3A_78 : memref<128x128xf32, #tpu.memory_space<vmem_shared>>) target(%arg9 : memref<128x128xf32, #tpu.memory_space<vmem>>) target_semaphore(%run_scoped3A_74 : memref<!tpu.dma_semaphore, #tpu.memory_space<semaphore_mem>>)
      %dma_wait3A = arith.constant 0 : i32
      %dma_wait3A_79 = tpu.memref_slice %arg13[%add3A_65, %dma_wait3A] : memref<10048x128xf32, #tpu.memory_space<vmem_shared>> -> memref<128x128xf32, #tpu.memory_space<vmem_shared>>
      %dma_wait3A_80 = arith.constant 0 : i32
      %dma_wait3A_81 = tpu.memref_slice %arg13[%add3A_65, %dma_wait3A_80] : memref<10048x128xf32, #tpu.memory_space<vmem_shared>> -> memref<128x128xf32, #tpu.memory_space<vmem_shared>>
      tpu.wait_dma2 semaphore(%run_scoped3A_74 : memref<!tpu.dma_semaphore, #tpu.memory_space<semaphore_mem>>) src(%dma_wait3A_81 : memref<128x128xf32, #tpu.memory_space<vmem_shared>>) dst(%arg9 : memref<128x128xf32, #tpu.memory_space<vmem>>)
      tpu.yield
    }) : () -> ()
    "tpu.region"() ({
      %run_scoped3A_74 = tpu.sem_alloc : memref<!tpu.dma_semaphore, #tpu.memory_space<semaphore_mem>>
      %dma_start3A_75 = arith.constant 0 : i32
      %dma_start3A_76 = tpu.memref_slice %arg4[%arg0, %add3A_65, %dma_start3A_75] : memref<2x10048x128xf32, #tpu.memory_space<hbm>> -> memref<1x128x128xf32, #tpu.memory_space<hbm>>
      %dma_start3A_77 = tpu.memref_squeeze %dma_start3A_76 : memref<1x128x128xf32, #tpu.memory_space<hbm>> -> memref<128x128xf32, #tpu.memory_space<hbm>>
      %dma_start3A_78 = arith.constant 0 : i32
      %dma_start3A_79 = tpu.memref_slice %arg4[%arg0, %add3A_65, %dma_start3A_78] : memref<2x10048x128xf32, #tpu.memory_space<hbm>> -> memref<1x128x128xf32, #tpu.memory_space<hbm>>
      %dma_start3A_80 = tpu.memref_squeeze %dma_start3A_79 : memref<1x128x128xf32, #tpu.memory_space<hbm>> -> memref<128x128xf32, #tpu.memory_space<hbm>>
      tpu.enqueue_dma source(%arg9 : memref<128x128xf32, #tpu.memory_space<vmem>>) target(%dma_start3A_80 : memref<128x128xf32, #tpu.memory_space<hbm>>) target_semaphore(%run_scoped3A_74 : memref<!tpu.dma_semaphore, #tpu.memory_space<semaphore_mem>>)
      %dma_wait3A = arith.constant 0 : i32
      %dma_wait3A_81 = tpu.memref_slice %arg4[%arg0, %add3A_65, %dma_wait3A] : memref<2x10048x128xf32, #tpu.memory_space<hbm>> -> memref<1x128x128xf32, #tpu.memory_space<hbm>>
      %dma_wait3A_82 = tpu.memref_squeeze %dma_wait3A_81 : memref<1x128x128xf32, #tpu.memory_space<hbm>> -> memref<128x128xf32, #tpu.memory_space<hbm>>
      %dma_wait3A_83 = arith.constant 0 : i32
      %dma_wait3A_84 = tpu.memref_slice %arg4[%arg0, %add3A_65, %dma_wait3A_83] : memref<2x10048x128xf32, #tpu.memory_space<hbm>> -> memref<1x128x128xf32, #tpu.memory_space<hbm>>
      %dma_wait3A_85 = tpu.memref_squeeze %dma_wait3A_84 : memref<1x128x128xf32, #tpu.memory_space<hbm>> -> memref<128x128xf32, #tpu.memory_space<hbm>>
      tpu.wait_dma2 semaphore(%run_scoped3A_74 : memref<!tpu.dma_semaphore, #tpu.memory_space<semaphore_mem>>) src(%arg9 : memref<128x128xf32, #tpu.memory_space<vmem>>) dst(%dma_wait3A_85 : memref<128x128xf32, #tpu.memory_space<hbm>>)
      tpu.yield
    }) : () -> ()
    "tpu.region"() ({
      %run_scoped3A_74 = tpu.sem_alloc : memref<!tpu.dma_semaphore, #tpu.memory_space<semaphore_mem>>
      %dma_start3A_75 = arith.constant 0 : i32
      %dma_start3A_76 = tpu.memref_slice %arg14[%add3A_65, %dma_start3A_75] : memref<10048x16xf32, #tpu.memory_space<vmem_shared>> -> memref<128x16xf32, #tpu.memory_space<vmem_shared>>
      %dma_start3A_77 = arith.constant 0 : i32
      %dma_start3A_78 = tpu.memref_slice %arg14[%add3A_65, %dma_start3A_77] : memref<10048x16xf32, #tpu.memory_space<vmem_shared>> -> memref<128x16xf32, #tpu.memory_space<vmem_shared>>
      tpu.enqueue_dma source(%dma_start3A_78 : memref<128x16xf32, #tpu.memory_space<vmem_shared>>) target(%arg12 : memref<128x16xf32, #tpu.memory_space<vmem>>) target_semaphore(%run_scoped3A_74 : memref<!tpu.dma_semaphore, #tpu.memory_space<semaphore_mem>>)
      %dma_wait3A = arith.constant 0 : i32
      %dma_wait3A_79 = tpu.memref_slice %arg14[%add3A_65, %dma_wait3A] : memref<10048x16xf32, #tpu.memory_space<vmem_shared>> -> memref<128x16xf32, #tpu.memory_space<vmem_shared>>
      %dma_wait3A_80 = arith.constant 0 : i32
      %dma_wait3A_81 = tpu.memref_slice %arg14[%add3A_65, %dma_wait3A_80] : memref<10048x16xf32, #tpu.memory_space<vmem_shared>> -> memref<128x16xf32, #tpu.memory_space<vmem_shared>>
      tpu.wait_dma2 semaphore(%run_scoped3A_74 : memref<!tpu.dma_semaphore, #tpu.memory_space<semaphore_mem>>) src(%dma_wait3A_81 : memref<128x16xf32, #tpu.memory_space<vmem_shared>>) dst(%arg12 : memref<128x16xf32, #tpu.memory_space<vmem>>)
      tpu.yield
    }) : () -> ()
    "tpu.region"() ({
      %run_scoped3A_74 = tpu.sem_alloc : memref<!tpu.dma_semaphore, #tpu.memory_space<semaphore_mem>>
      %dma_start3A_75 = arith.constant 0 : i32
      %dma_start3A_76 = tpu.memref_slice %arg5[%arg0, %add3A_65, %dma_start3A_75] : memref<2x10048x16xf32, #tpu.memory_space<hbm>> -> memref<1x128x16xf32, #tpu.memory_space<hbm>>
      %dma_start3A_77 = tpu.memref_squeeze %dma_start3A_76 : memref<1x128x16xf32, #tpu.memory_space<hbm>> -> memref<128x16xf32, #tpu.memory_space<hbm>>
      %dma_start3A_78 = arith.constant 0 : i32
      %dma_start3A_79 = tpu.memref_slice %arg5[%arg0, %add3A_65, %dma_start3A_78] : memref<2x10048x16xf32, #tpu.memory_space<hbm>> -> memref<1x128x16xf32, #tpu.memory_space<hbm>>
      %dma_start3A_80 = tpu.memref_squeeze %dma_start3A_79 : memref<1x128x16xf32, #tpu.memory_space<hbm>> -> memref<128x16xf32, #tpu.memory_space<hbm>>
      tpu.enqueue_dma source(%arg12 : memref<128x16xf32, #tpu.memory_space<vmem>>) target(%dma_start3A_80 : memref<128x16xf32, #tpu.memory_space<hbm>>) target_semaphore(%run_scoped3A_74 : memref<!tpu.dma_semaphore, #tpu.memory_space<semaphore_mem>>)
      %dma_wait3A = arith.constant 0 : i32
      %dma_wait3A_81 = tpu.memref_slice %arg5[%arg0, %add3A_65, %dma_wait3A] : memref<2x10048x16xf32, #tpu.memory_space<hbm>> -> memref<1x128x16xf32, #tpu.memory_space<hbm>>
      %dma_wait3A_82 = tpu.memref_squeeze %dma_wait3A_81 : memref<1x128x16xf32, #tpu.memory_space<hbm>> -> memref<128x16xf32, #tpu.memory_space<hbm>>
      %dma_wait3A_83 = arith.constant 0 : i32
      %dma_wait3A_84 = tpu.memref_slice %arg5[%arg0, %add3A_65, %dma_wait3A_83] : memref<2x10048x16xf32, #tpu.memory_space<hbm>> -> memref<1x128x16xf32, #tpu.memory_space<hbm>>
      %dma_wait3A_85 = tpu.memref_squeeze %dma_wait3A_84 : memref<1x128x16xf32, #tpu.memory_space<hbm>> -> memref<128x16xf32, #tpu.memory_space<hbm>>
      tpu.wait_dma2 semaphore(%run_scoped3A_74 : memref<!tpu.dma_semaphore, #tpu.memory_space<semaphore_mem>>) src(%arg12 : memref<128x16xf32, #tpu.memory_space<vmem>>) dst(%dma_wait3A_85 : memref<128x16xf32, #tpu.memory_space<hbm>>)
      tpu.yield
    }) : () -> ()
    %add3A_66 = arith.constant 128 : i32
    %add3A_67 = arith.addi %mul3A_2, %add3A_66 : i32
    "tpu.region"() ({
      %run_scoped3A_74 = tpu.sem_alloc : memref<!tpu.dma_semaphore, #tpu.memory_space<semaphore_mem>>
      %dma_start3A_75 = arith.constant 0 : i32
      %dma_start3A_76 = tpu.memref_slice %arg13[%add3A_67, %dma_start3A_75] : memref<10048x128xf32, #tpu.memory_space<vmem_shared>> -> memref<128x128xf32, #tpu.memory_space<vmem_shared>>
      %dma_start3A_77 = arith.constant 0 : i32
      %dma_start3A_78 = tpu.memref_slice %arg13[%add3A_67, %dma_start3A_77] : memref<10048x128xf32, #tpu.memory_space<vmem_shared>> -> memref<128x128xf32, #tpu.memory_space<vmem_shared>>
      tpu.enqueue_dma source(%dma_start3A_78 : memref<128x128xf32, #tpu.memory_space<vmem_shared>>) target(%arg9 : memref<128x128xf32, #tpu.memory_space<vmem>>) target_semaphore(%run_scoped3A_74 : memref<!tpu.dma_semaphore, #tpu.memory_space<semaphore_mem>>)
      %dma_wait3A = arith.constant 0 : i32
      %dma_wait3A_79 = tpu.memref_slice %arg13[%add3A_67, %dma_wait3A] : memref<10048x128xf32, #tpu.memory_space<vmem_shared>> -> memref<128x128xf32, #tpu.memory_space<vmem_shared>>
      %dma_wait3A_80 = arith.constant 0 : i32
      %dma_wait3A_81 = tpu.memref_slice %arg13[%add3A_67, %dma_wait3A_80] : memref<10048x128xf32, #tpu.memory_space<vmem_shared>> -> memref<128x128xf32, #tpu.memory_space<vmem_shared>>
      tpu.wait_dma2 semaphore(%run_scoped3A_74 : memref<!tpu.dma_semaphore, #tpu.memory_space<semaphore_mem>>) src(%dma_wait3A_81 : memref<128x128xf32, #tpu.memory_space<vmem_shared>>) dst(%arg9 : memref<128x128xf32, #tpu.memory_space<vmem>>)
      tpu.yield
    }) : () -> ()
    "tpu.region"() ({
      %run_scoped3A_74 = tpu.sem_alloc : memref<!tpu.dma_semaphore, #tpu.memory_space<semaphore_mem>>
      %dma_start3A_75 = arith.constant 0 : i32
      %dma_start3A_76 = tpu.memref_slice %arg4[%arg0, %add3A_67, %dma_start3A_75] : memref<2x10048x128xf32, #tpu.memory_space<hbm>> -> memref<1x128x128xf32, #tpu.memory_space<hbm>>
      %dma_start3A_77 = tpu.memref_squeeze %dma_start3A_76 : memref<1x128x128xf32, #tpu.memory_space<hbm>> -> memref<128x128xf32, #tpu.memory_space<hbm>>
      %dma_start3A_78 = arith.constant 0 : i32
      %dma_start3A_79 = tpu.memref_slice %arg4[%arg0, %add3A_67, %dma_start3A_78] : memref<2x10048x128xf32, #tpu.memory_space<hbm>> -> memref<1x128x128xf32, #tpu.memory_space<hbm>>
      %dma_start3A_80 = tpu.memref_squeeze %dma_start3A_79 : memref<1x128x128xf32, #tpu.memory_space<hbm>> -> memref<128x128xf32, #tpu.memory_space<hbm>>
      tpu.enqueue_dma source(%arg9 : memref<128x128xf32, #tpu.memory_space<vmem>>) target(%dma_start3A_80 : memref<128x128xf32, #tpu.memory_space<hbm>>) target_semaphore(%run_scoped3A_74 : memref<!tpu.dma_semaphore, #tpu.memory_space<semaphore_mem>>)
      %dma_wait3A = arith.constant 0 : i32
      %dma_wait3A_81 = tpu.memref_slice %arg4[%arg0, %add3A_67, %dma_wait3A] : memref<2x10048x128xf32, #tpu.memory_space<hbm>> -> memref<1x128x128xf32, #tpu.memory_space<hbm>>
      %dma_wait3A_82 = tpu.memref_squeeze %dma_wait3A_81 : memref<1x128x128xf32, #tpu.memory_space<hbm>> -> memref<128x128xf32, #tpu.memory_space<hbm>>
      %dma_wait3A_83 = arith.constant 0 : i32
      %dma_wait3A_84 = tpu.memref_slice %arg4[%arg0, %add3A_67, %dma_wait3A_83] : memref<2x10048x128xf32, #tpu.memory_space<hbm>> -> memref<1x128x128xf32, #tpu.memory_space<hbm>>
      %dma_wait3A_85 = tpu.memref_squeeze %dma_wait3A_84 : memref<1x128x128xf32, #tpu.memory_space<hbm>> -> memref<128x128xf32, #tpu.memory_space<hbm>>
      tpu.wait_dma2 semaphore(%run_scoped3A_74 : memref<!tpu.dma_semaphore, #tpu.memory_space<semaphore_mem>>) src(%arg9 : memref<128x128xf32, #tpu.memory_space<vmem>>) dst(%dma_wait3A_85 : memref<128x128xf32, #tpu.memory_space<hbm>>)
      tpu.yield
    }) : () -> ()
    "tpu.region"() ({
      %run_scoped3A_74 = tpu.sem_alloc : memref<!tpu.dma_semaphore, #tpu.memory_space<semaphore_mem>>
      %dma_start3A_75 = arith.constant 0 : i32
      %dma_start3A_76 = tpu.memref_slice %arg14[%add3A_67, %dma_start3A_75] : memref<10048x16xf32, #tpu.memory_space<vmem_shared>> -> memref<128x16xf32, #tpu.memory_space<vmem_shared>>
      %dma_start3A_77 = arith.constant 0 : i32
      %dma_start3A_78 = tpu.memref_slice %arg14[%add3A_67, %dma_start3A_77] : memref<10048x16xf32, #tpu.memory_space<vmem_shared>> -> memref<128x16xf32, #tpu.memory_space<vmem_shared>>
      tpu.enqueue_dma source(%dma_start3A_78 : memref<128x16xf32, #tpu.memory_space<vmem_shared>>) target(%arg12 : memref<128x16xf32, #tpu.memory_space<vmem>>) target_semaphore(%run_scoped3A_74 : memref<!tpu.dma_semaphore, #tpu.memory_space<semaphore_mem>>)
      %dma_wait3A = arith.constant 0 : i32
      %dma_wait3A_79 = tpu.memref_slice %arg14[%add3A_67, %dma_wait3A] : memref<10048x16xf32, #tpu.memory_space<vmem_shared>> -> memref<128x16xf32, #tpu.memory_space<vmem_shared>>
      %dma_wait3A_80 = arith.constant 0 : i32
      %dma_wait3A_81 = tpu.memref_slice %arg14[%add3A_67, %dma_wait3A_80] : memref<10048x16xf32, #tpu.memory_space<vmem_shared>> -> memref<128x16xf32, #tpu.memory_space<vmem_shared>>
      tpu.wait_dma2 semaphore(%run_scoped3A_74 : memref<!tpu.dma_semaphore, #tpu.memory_space<semaphore_mem>>) src(%dma_wait3A_81 : memref<128x16xf32, #tpu.memory_space<vmem_shared>>) dst(%arg12 : memref<128x16xf32, #tpu.memory_space<vmem>>)
      tpu.yield
    }) : () -> ()
    "tpu.region"() ({
      %run_scoped3A_74 = tpu.sem_alloc : memref<!tpu.dma_semaphore, #tpu.memory_space<semaphore_mem>>
      %dma_start3A_75 = arith.constant 0 : i32
      %dma_start3A_76 = tpu.memref_slice %arg5[%arg0, %add3A_67, %dma_start3A_75] : memref<2x10048x16xf32, #tpu.memory_space<hbm>> -> memref<1x128x16xf32, #tpu.memory_space<hbm>>
      %dma_start3A_77 = tpu.memref_squeeze %dma_start3A_76 : memref<1x128x16xf32, #tpu.memory_space<hbm>> -> memref<128x16xf32, #tpu.memory_space<hbm>>
      %dma_start3A_78 = arith.constant 0 : i32
      %dma_start3A_79 = tpu.memref_slice %arg5[%arg0, %add3A_67, %dma_start3A_78] : memref<2x10048x16xf32, #tpu.memory_space<hbm>> -> memref<1x128x16xf32, #tpu.memory_space<hbm>>
      %dma_start3A_80 = tpu.memref_squeeze %dma_start3A_79 : memref<1x128x16xf32, #tpu.memory_space<hbm>> -> memref<128x16xf32, #tpu.memory_space<hbm>>
      tpu.enqueue_dma source(%arg12 : memref<128x16xf32, #tpu.memory_space<vmem>>) target(%dma_start3A_80 : memref<128x16xf32, #tpu.memory_space<hbm>>) target_semaphore(%run_scoped3A_74 : memref<!tpu.dma_semaphore, #tpu.memory_space<semaphore_mem>>)
      %dma_wait3A = arith.constant 0 : i32
      %dma_wait3A_81 = tpu.memref_slice %arg5[%arg0, %add3A_67, %dma_wait3A] : memref<2x10048x16xf32, #tpu.memory_space<hbm>> -> memref<1x128x16xf32, #tpu.memory_space<hbm>>
      %dma_wait3A_82 = tpu.memref_squeeze %dma_wait3A_81 : memref<1x128x16xf32, #tpu.memory_space<hbm>> -> memref<128x16xf32, #tpu.memory_space<hbm>>
      %dma_wait3A_83 = arith.constant 0 : i32
      %dma_wait3A_84 = tpu.memref_slice %arg5[%arg0, %add3A_67, %dma_wait3A_83] : memref<2x10048x16xf32, #tpu.memory_space<hbm>> -> memref<1x128x16xf32, #tpu.memory_space<hbm>>
      %dma_wait3A_85 = tpu.memref_squeeze %dma_wait3A_84 : memref<1x128x16xf32, #tpu.memory_space<hbm>> -> memref<128x16xf32, #tpu.memory_space<hbm>>
      tpu.wait_dma2 semaphore(%run_scoped3A_74 : memref<!tpu.dma_semaphore, #tpu.memory_space<semaphore_mem>>) src(%arg12 : memref<128x16xf32, #tpu.memory_space<vmem>>) dst(%dma_wait3A_85 : memref<128x16xf32, #tpu.memory_space<hbm>>)
      tpu.yield
    }) : () -> ()
    %add3A_68 = arith.constant 256 : i32
    %add3A_69 = arith.addi %mul3A_2, %add3A_68 : i32
    "tpu.region"() ({
      %run_scoped3A_74 = tpu.sem_alloc : memref<!tpu.dma_semaphore, #tpu.memory_space<semaphore_mem>>
      %dma_start3A_75 = arith.constant 0 : i32
      %dma_start3A_76 = tpu.memref_slice %arg13[%add3A_69, %dma_start3A_75] : memref<10048x128xf32, #tpu.memory_space<vmem_shared>> -> memref<128x128xf32, #tpu.memory_space<vmem_shared>>
      %dma_start3A_77 = arith.constant 0 : i32
      %dma_start3A_78 = tpu.memref_slice %arg13[%add3A_69, %dma_start3A_77] : memref<10048x128xf32, #tpu.memory_space<vmem_shared>> -> memref<128x128xf32, #tpu.memory_space<vmem_shared>>
      tpu.enqueue_dma source(%dma_start3A_78 : memref<128x128xf32, #tpu.memory_space<vmem_shared>>) target(%arg9 : memref<128x128xf32, #tpu.memory_space<vmem>>) target_semaphore(%run_scoped3A_74 : memref<!tpu.dma_semaphore, #tpu.memory_space<semaphore_mem>>)
      %dma_wait3A = arith.constant 0 : i32
      %dma_wait3A_79 = tpu.memref_slice %arg13[%add3A_69, %dma_wait3A] : memref<10048x128xf32, #tpu.memory_space<vmem_shared>> -> memref<128x128xf32, #tpu.memory_space<vmem_shared>>
      %dma_wait3A_80 = arith.constant 0 : i32
      %dma_wait3A_81 = tpu.memref_slice %arg13[%add3A_69, %dma_wait3A_80] : memref<10048x128xf32, #tpu.memory_space<vmem_shared>> -> memref<128x128xf32, #tpu.memory_space<vmem_shared>>
      tpu.wait_dma2 semaphore(%run_scoped3A_74 : memref<!tpu.dma_semaphore, #tpu.memory_space<semaphore_mem>>) src(%dma_wait3A_81 : memref<128x128xf32, #tpu.memory_space<vmem_shared>>) dst(%arg9 : memref<128x128xf32, #tpu.memory_space<vmem>>)
      tpu.yield
    }) : () -> ()
    "tpu.region"() ({
      %run_scoped3A_74 = tpu.sem_alloc : memref<!tpu.dma_semaphore, #tpu.memory_space<semaphore_mem>>
      %dma_start3A_75 = arith.constant 0 : i32
      %dma_start3A_76 = tpu.memref_slice %arg4[%arg0, %add3A_69, %dma_start3A_75] : memref<2x10048x128xf32, #tpu.memory_space<hbm>> -> memref<1x128x128xf32, #tpu.memory_space<hbm>>
      %dma_start3A_77 = tpu.memref_squeeze %dma_start3A_76 : memref<1x128x128xf32, #tpu.memory_space<hbm>> -> memref<128x128xf32, #tpu.memory_space<hbm>>
      %dma_start3A_78 = arith.constant 0 : i32
      %dma_start3A_79 = tpu.memref_slice %arg4[%arg0, %add3A_69, %dma_start3A_78] : memref<2x10048x128xf32, #tpu.memory_space<hbm>> -> memref<1x128x128xf32, #tpu.memory_space<hbm>>
      %dma_start3A_80 = tpu.memref_squeeze %dma_start3A_79 : memref<1x128x128xf32, #tpu.memory_space<hbm>> -> memref<128x128xf32, #tpu.memory_space<hbm>>
      tpu.enqueue_dma source(%arg9 : memref<128x128xf32, #tpu.memory_space<vmem>>) target(%dma_start3A_80 : memref<128x128xf32, #tpu.memory_space<hbm>>) target_semaphore(%run_scoped3A_74 : memref<!tpu.dma_semaphore, #tpu.memory_space<semaphore_mem>>)
      %dma_wait3A = arith.constant 0 : i32
      %dma_wait3A_81 = tpu.memref_slice %arg4[%arg0, %add3A_69, %dma_wait3A] : memref<2x10048x128xf32, #tpu.memory_space<hbm>> -> memref<1x128x128xf32, #tpu.memory_space<hbm>>
      %dma_wait3A_82 = tpu.memref_squeeze %dma_wait3A_81 : memref<1x128x128xf32, #tpu.memory_space<hbm>> -> memref<128x128xf32, #tpu.memory_space<hbm>>
      %dma_wait3A_83 = arith.constant 0 : i32
      %dma_wait3A_84 = tpu.memref_slice %arg4[%arg0, %add3A_69, %dma_wait3A_83] : memref<2x10048x128xf32, #tpu.memory_space<hbm>> -> memref<1x128x128xf32, #tpu.memory_space<hbm>>
      %dma_wait3A_85 = tpu.memref_squeeze %dma_wait3A_84 : memref<1x128x128xf32, #tpu.memory_space<hbm>> -> memref<128x128xf32, #tpu.memory_space<hbm>>
      tpu.wait_dma2 semaphore(%run_scoped3A_74 : memref<!tpu.dma_semaphore, #tpu.memory_space<semaphore_mem>>) src(%arg9 : memref<128x128xf32, #tpu.memory_space<vmem>>) dst(%dma_wait3A_85 : memref<128x128xf32, #tpu.memory_space<hbm>>)
      tpu.yield
    }) : () -> ()
    "tpu.region"() ({
      %run_scoped3A_74 = tpu.sem_alloc : memref<!tpu.dma_semaphore, #tpu.memory_space<semaphore_mem>>
      %dma_start3A_75 = arith.constant 0 : i32
      %dma_start3A_76 = tpu.memref_slice %arg14[%add3A_69, %dma_start3A_75] : memref<10048x16xf32, #tpu.memory_space<vmem_shared>> -> memref<128x16xf32, #tpu.memory_space<vmem_shared>>
      %dma_start3A_77 = arith.constant 0 : i32
      %dma_start3A_78 = tpu.memref_slice %arg14[%add3A_69, %dma_start3A_77] : memref<10048x16xf32, #tpu.memory_space<vmem_shared>> -> memref<128x16xf32, #tpu.memory_space<vmem_shared>>
      tpu.enqueue_dma source(%dma_start3A_78 : memref<128x16xf32, #tpu.memory_space<vmem_shared>>) target(%arg12 : memref<128x16xf32, #tpu.memory_space<vmem>>) target_semaphore(%run_scoped3A_74 : memref<!tpu.dma_semaphore, #tpu.memory_space<semaphore_mem>>)
      %dma_wait3A = arith.constant 0 : i32
      %dma_wait3A_79 = tpu.memref_slice %arg14[%add3A_69, %dma_wait3A] : memref<10048x16xf32, #tpu.memory_space<vmem_shared>> -> memref<128x16xf32, #tpu.memory_space<vmem_shared>>
      %dma_wait3A_80 = arith.constant 0 : i32
      %dma_wait3A_81 = tpu.memref_slice %arg14[%add3A_69, %dma_wait3A_80] : memref<10048x16xf32, #tpu.memory_space<vmem_shared>> -> memref<128x16xf32, #tpu.memory_space<vmem_shared>>
      tpu.wait_dma2 semaphore(%run_scoped3A_74 : memref<!tpu.dma_semaphore, #tpu.memory_space<semaphore_mem>>) src(%dma_wait3A_81 : memref<128x16xf32, #tpu.memory_space<vmem_shared>>) dst(%arg12 : memref<128x16xf32, #tpu.memory_space<vmem>>)
      tpu.yield
    }) : () -> ()
    "tpu.region"() ({
      %run_scoped3A_74 = tpu.sem_alloc : memref<!tpu.dma_semaphore, #tpu.memory_space<semaphore_mem>>
      %dma_start3A_75 = arith.constant 0 : i32
      %dma_start3A_76 = tpu.memref_slice %arg5[%arg0, %add3A_69, %dma_start3A_75] : memref<2x10048x16xf32, #tpu.memory_space<hbm>> -> memref<1x128x16xf32, #tpu.memory_space<hbm>>
      %dma_start3A_77 = tpu.memref_squeeze %dma_start3A_76 : memref<1x128x16xf32, #tpu.memory_space<hbm>> -> memref<128x16xf32, #tpu.memory_space<hbm>>
      %dma_start3A_78 = arith.constant 0 : i32
      %dma_start3A_79 = tpu.memref_slice %arg5[%arg0, %add3A_69, %dma_start3A_78] : memref<2x10048x16xf32, #tpu.memory_space<hbm>> -> memref<1x128x16xf32, #tpu.memory_space<hbm>>
      %dma_start3A_80 = tpu.memref_squeeze %dma_start3A_79 : memref<1x128x16xf32, #tpu.memory_space<hbm>> -> memref<128x16xf32, #tpu.memory_space<hbm>>
      tpu.enqueue_dma source(%arg12 : memref<128x16xf32, #tpu.memory_space<vmem>>) target(%dma_start3A_80 : memref<128x16xf32, #tpu.memory_space<hbm>>) target_semaphore(%run_scoped3A_74 : memref<!tpu.dma_semaphore, #tpu.memory_space<semaphore_mem>>)
      %dma_wait3A = arith.constant 0 : i32
      %dma_wait3A_81 = tpu.memref_slice %arg5[%arg0, %add3A_69, %dma_wait3A] : memref<2x10048x16xf32, #tpu.memory_space<hbm>> -> memref<1x128x16xf32, #tpu.memory_space<hbm>>
      %dma_wait3A_82 = tpu.memref_squeeze %dma_wait3A_81 : memref<1x128x16xf32, #tpu.memory_space<hbm>> -> memref<128x16xf32, #tpu.memory_space<hbm>>
      %dma_wait3A_83 = arith.constant 0 : i32
      %dma_wait3A_84 = tpu.memref_slice %arg5[%arg0, %add3A_69, %dma_wait3A_83] : memref<2x10048x16xf32, #tpu.memory_space<hbm>> -> memref<1x128x16xf32, #tpu.memory_space<hbm>>
      %dma_wait3A_85 = tpu.memref_squeeze %dma_wait3A_84 : memref<1x128x16xf32, #tpu.memory_space<hbm>> -> memref<128x16xf32, #tpu.memory_space<hbm>>
      tpu.wait_dma2 semaphore(%run_scoped3A_74 : memref<!tpu.dma_semaphore, #tpu.memory_space<semaphore_mem>>) src(%arg12 : memref<128x16xf32, #tpu.memory_space<vmem>>) dst(%dma_wait3A_85 : memref<128x16xf32, #tpu.memory_space<hbm>>)
      tpu.yield
    }) : () -> ()
    %add3A_70 = arith.constant 384 : i32
    %add3A_71 = arith.addi %mul3A_2, %add3A_70 : i32
    "tpu.region"() ({
      %run_scoped3A_74 = tpu.sem_alloc : memref<!tpu.dma_semaphore, #tpu.memory_space<semaphore_mem>>
      %dma_start3A_75 = arith.constant 0 : i32
      %dma_start3A_76 = tpu.memref_slice %arg13[%add3A_71, %dma_start3A_75] : memref<10048x128xf32, #tpu.memory_space<vmem_shared>> -> memref<128x128xf32, #tpu.memory_space<vmem_shared>>
      %dma_start3A_77 = arith.constant 0 : i32
      %dma_start3A_78 = tpu.memref_slice %arg13[%add3A_71, %dma_start3A_77] : memref<10048x128xf32, #tpu.memory_space<vmem_shared>> -> memref<128x128xf32, #tpu.memory_space<vmem_shared>>
      tpu.enqueue_dma source(%dma_start3A_78 : memref<128x128xf32, #tpu.memory_space<vmem_shared>>) target(%arg9 : memref<128x128xf32, #tpu.memory_space<vmem>>) target_semaphore(%run_scoped3A_74 : memref<!tpu.dma_semaphore, #tpu.memory_space<semaphore_mem>>)
      %dma_wait3A = arith.constant 0 : i32
      %dma_wait3A_79 = tpu.memref_slice %arg13[%add3A_71, %dma_wait3A] : memref<10048x128xf32, #tpu.memory_space<vmem_shared>> -> memref<128x128xf32, #tpu.memory_space<vmem_shared>>
      %dma_wait3A_80 = arith.constant 0 : i32
      %dma_wait3A_81 = tpu.memref_slice %arg13[%add3A_71, %dma_wait3A_80] : memref<10048x128xf32, #tpu.memory_space<vmem_shared>> -> memref<128x128xf32, #tpu.memory_space<vmem_shared>>
      tpu.wait_dma2 semaphore(%run_scoped3A_74 : memref<!tpu.dma_semaphore, #tpu.memory_space<semaphore_mem>>) src(%dma_wait3A_81 : memref<128x128xf32, #tpu.memory_space<vmem_shared>>) dst(%arg9 : memref<128x128xf32, #tpu.memory_space<vmem>>)
      tpu.yield
    }) : () -> ()
    "tpu.region"() ({
      %run_scoped3A_74 = tpu.sem_alloc : memref<!tpu.dma_semaphore, #tpu.memory_space<semaphore_mem>>
      %dma_start3A_75 = arith.constant 0 : i32
      %dma_start3A_76 = tpu.memref_slice %arg4[%arg0, %add3A_71, %dma_start3A_75] : memref<2x10048x128xf32, #tpu.memory_space<hbm>> -> memref<1x128x128xf32, #tpu.memory_space<hbm>>
      %dma_start3A_77 = tpu.memref_squeeze %dma_start3A_76 : memref<1x128x128xf32, #tpu.memory_space<hbm>> -> memref<128x128xf32, #tpu.memory_space<hbm>>
      %dma_start3A_78 = arith.constant 0 : i32
      %dma_start3A_79 = tpu.memref_slice %arg4[%arg0, %add3A_71, %dma_start3A_78] : memref<2x10048x128xf32, #tpu.memory_space<hbm>> -> memref<1x128x128xf32, #tpu.memory_space<hbm>>
      %dma_start3A_80 = tpu.memref_squeeze %dma_start3A_79 : memref<1x128x128xf32, #tpu.memory_space<hbm>> -> memref<128x128xf32, #tpu.memory_space<hbm>>
      tpu.enqueue_dma source(%arg9 : memref<128x128xf32, #tpu.memory_space<vmem>>) target(%dma_start3A_80 : memref<128x128xf32, #tpu.memory_space<hbm>>) target_semaphore(%run_scoped3A_74 : memref<!tpu.dma_semaphore, #tpu.memory_space<semaphore_mem>>)
      %dma_wait3A = arith.constant 0 : i32
      %dma_wait3A_81 = tpu.memref_slice %arg4[%arg0, %add3A_71, %dma_wait3A] : memref<2x10048x128xf32, #tpu.memory_space<hbm>> -> memref<1x128x128xf32, #tpu.memory_space<hbm>>
      %dma_wait3A_82 = tpu.memref_squeeze %dma_wait3A_81 : memref<1x128x128xf32, #tpu.memory_space<hbm>> -> memref<128x128xf32, #tpu.memory_space<hbm>>
      %dma_wait3A_83 = arith.constant 0 : i32
      %dma_wait3A_84 = tpu.memref_slice %arg4[%arg0, %add3A_71, %dma_wait3A_83] : memref<2x10048x128xf32, #tpu.memory_space<hbm>> -> memref<1x128x128xf32, #tpu.memory_space<hbm>>
      %dma_wait3A_85 = tpu.memref_squeeze %dma_wait3A_84 : memref<1x128x128xf32, #tpu.memory_space<hbm>> -> memref<128x128xf32, #tpu.memory_space<hbm>>
      tpu.wait_dma2 semaphore(%run_scoped3A_74 : memref<!tpu.dma_semaphore, #tpu.memory_space<semaphore_mem>>) src(%arg9 : memref<128x128xf32, #tpu.memory_space<vmem>>) dst(%dma_wait3A_85 : memref<128x128xf32, #tpu.memory_space<hbm>>)
      tpu.yield
    }) : () -> ()
    "tpu.region"() ({
      %run_scoped3A_74 = tpu.sem_alloc : memref<!tpu.dma_semaphore, #tpu.memory_space<semaphore_mem>>
      %dma_start3A_75 = arith.constant 0 : i32
      %dma_start3A_76 = tpu.memref_slice %arg14[%add3A_71, %dma_start3A_75] : memref<10048x16xf32, #tpu.memory_space<vmem_shared>> -> memref<128x16xf32, #tpu.memory_space<vmem_shared>>
      %dma_start3A_77 = arith.constant 0 : i32
      %dma_start3A_78 = tpu.memref_slice %arg14[%add3A_71, %dma_start3A_77] : memref<10048x16xf32, #tpu.memory_space<vmem_shared>> -> memref<128x16xf32, #tpu.memory_space<vmem_shared>>
      tpu.enqueue_dma source(%dma_start3A_78 : memref<128x16xf32, #tpu.memory_space<vmem_shared>>) target(%arg12 : memref<128x16xf32, #tpu.memory_space<vmem>>) target_semaphore(%run_scoped3A_74 : memref<!tpu.dma_semaphore, #tpu.memory_space<semaphore_mem>>)
      %dma_wait3A = arith.constant 0 : i32
      %dma_wait3A_79 = tpu.memref_slice %arg14[%add3A_71, %dma_wait3A] : memref<10048x16xf32, #tpu.memory_space<vmem_shared>> -> memref<128x16xf32, #tpu.memory_space<vmem_shared>>
      %dma_wait3A_80 = arith.constant 0 : i32
      %dma_wait3A_81 = tpu.memref_slice %arg14[%add3A_71, %dma_wait3A_80] : memref<10048x16xf32, #tpu.memory_space<vmem_shared>> -> memref<128x16xf32, #tpu.memory_space<vmem_shared>>
      tpu.wait_dma2 semaphore(%run_scoped3A_74 : memref<!tpu.dma_semaphore, #tpu.memory_space<semaphore_mem>>) src(%dma_wait3A_81 : memref<128x16xf32, #tpu.memory_space<vmem_shared>>) dst(%arg12 : memref<128x16xf32, #tpu.memory_space<vmem>>)
      tpu.yield
    }) : () -> ()
    "tpu.region"() ({
      %run_scoped3A_74 = tpu.sem_alloc : memref<!tpu.dma_semaphore, #tpu.memory_space<semaphore_mem>>
      %dma_start3A_75 = arith.constant 0 : i32
      %dma_start3A_76 = tpu.memref_slice %arg5[%arg0, %add3A_71, %dma_start3A_75] : memref<2x10048x16xf32, #tpu.memory_space<hbm>> -> memref<1x128x16xf32, #tpu.memory_space<hbm>>
      %dma_start3A_77 = tpu.memref_squeeze %dma_start3A_76 : memref<1x128x16xf32, #tpu.memory_space<hbm>> -> memref<128x16xf32, #tpu.memory_space<hbm>>
      %dma_start3A_78 = arith.constant 0 : i32
      %dma_start3A_79 = tpu.memref_slice %arg5[%arg0, %add3A_71, %dma_start3A_78] : memref<2x10048x16xf32, #tpu.memory_space<hbm>> -> memref<1x128x16xf32, #tpu.memory_space<hbm>>
      %dma_start3A_80 = tpu.memref_squeeze %dma_start3A_79 : memref<1x128x16xf32, #tpu.memory_space<hbm>> -> memref<128x16xf32, #tpu.memory_space<hbm>>
      tpu.enqueue_dma source(%arg12 : memref<128x16xf32, #tpu.memory_space<vmem>>) target(%dma_start3A_80 : memref<128x16xf32, #tpu.memory_space<hbm>>) target_semaphore(%run_scoped3A_74 : memref<!tpu.dma_semaphore, #tpu.memory_space<semaphore_mem>>)
      %dma_wait3A = arith.constant 0 : i32
      %dma_wait3A_81 = tpu.memref_slice %arg5[%arg0, %add3A_71, %dma_wait3A] : memref<2x10048x16xf32, #tpu.memory_space<hbm>> -> memref<1x128x16xf32, #tpu.memory_space<hbm>>
      %dma_wait3A_82 = tpu.memref_squeeze %dma_wait3A_81 : memref<1x128x16xf32, #tpu.memory_space<hbm>> -> memref<128x16xf32, #tpu.memory_space<hbm>>
      %dma_wait3A_83 = arith.constant 0 : i32
      %dma_wait3A_84 = tpu.memref_slice %arg5[%arg0, %add3A_71, %dma_wait3A_83] : memref<2x10048x16xf32, #tpu.memory_space<hbm>> -> memref<1x128x16xf32, #tpu.memory_space<hbm>>
      %dma_wait3A_85 = tpu.memref_squeeze %dma_wait3A_84 : memref<1x128x16xf32, #tpu.memory_space<hbm>> -> memref<128x16xf32, #tpu.memory_space<hbm>>
      tpu.wait_dma2 semaphore(%run_scoped3A_74 : memref<!tpu.dma_semaphore, #tpu.memory_space<semaphore_mem>>) src(%arg12 : memref<128x16xf32, #tpu.memory_space<vmem>>) dst(%dma_wait3A_85 : memref<128x16xf32, #tpu.memory_space<hbm>>)
      tpu.yield
    }) : () -> ()
    %add3A_72 = arith.constant 512 : i32
    %add3A_73 = arith.addi %mul3A_2, %add3A_72 : i32
    "tpu.region"() ({
      %run_scoped3A_74 = tpu.sem_alloc : memref<!tpu.dma_semaphore, #tpu.memory_space<semaphore_mem>>
      %dma_start3A_75 = arith.constant 0 : i32
      %dma_start3A_76 = arith.constant 0 : i32
      %dma_start3A_77 = tpu.memref_slice %arg10[%dma_start3A_75, %dma_start3A_76] : memref<128x128xf32, #tpu.memory_space<vmem>> -> memref<116x128xf32, #tpu.memory_space<vmem>>
      %dma_start3A_78 = arith.constant 0 : i32
      %dma_start3A_79 = tpu.memref_slice %arg13[%add3A_73, %dma_start3A_78] : memref<10048x128xf32, #tpu.memory_space<vmem_shared>> -> memref<116x128xf32, #tpu.memory_space<vmem_shared>>
      %dma_start3A_80 = arith.constant 0 : i32
      %dma_start3A_81 = arith.constant 0 : i32
      %dma_start3A_82 = tpu.memref_slice %arg10[%dma_start3A_80, %dma_start3A_81] : memref<128x128xf32, #tpu.memory_space<vmem>> -> memref<116x128xf32, #tpu.memory_space<vmem>>
      %dma_start3A_83 = arith.constant 0 : i32
      %dma_start3A_84 = tpu.memref_slice %arg13[%add3A_73, %dma_start3A_83] : memref<10048x128xf32, #tpu.memory_space<vmem_shared>> -> memref<116x128xf32, #tpu.memory_space<vmem_shared>>
      tpu.enqueue_dma source(%dma_start3A_84 : memref<116x128xf32, #tpu.memory_space<vmem_shared>>) target(%dma_start3A_82 : memref<116x128xf32, #tpu.memory_space<vmem>>) target_semaphore(%run_scoped3A_74 : memref<!tpu.dma_semaphore, #tpu.memory_space<semaphore_mem>>)
      %dma_wait3A = arith.constant 0 : i32
      %dma_wait3A_85 = arith.constant 0 : i32
      %dma_wait3A_86 = tpu.memref_slice %arg10[%dma_wait3A, %dma_wait3A_85] : memref<128x128xf32, #tpu.memory_space<vmem>> -> memref<116x128xf32, #tpu.memory_space<vmem>>
      %dma_wait3A_87 = arith.constant 0 : i32
      %dma_wait3A_88 = tpu.memref_slice %arg13[%add3A_73, %dma_wait3A_87] : memref<10048x128xf32, #tpu.memory_space<vmem_shared>> -> memref<116x128xf32, #tpu.memory_space<vmem_shared>>
      %dma_wait3A_89 = arith.constant 0 : i32
      %dma_wait3A_90 = arith.constant 0 : i32
      %dma_wait3A_91 = tpu.memref_slice %arg10[%dma_wait3A_89, %dma_wait3A_90] : memref<128x128xf32, #tpu.memory_space<vmem>> -> memref<116x128xf32, #tpu.memory_space<vmem>>
      %dma_wait3A_92 = arith.constant 0 : i32
      %dma_wait3A_93 = tpu.memref_slice %arg13[%add3A_73, %dma_wait3A_92] : memref<10048x128xf32, #tpu.memory_space<vmem_shared>> -> memref<116x128xf32, #tpu.memory_space<vmem_shared>>
      tpu.wait_dma2 semaphore(%run_scoped3A_74 : memref<!tpu.dma_semaphore, #tpu.memory_space<semaphore_mem>>) src(%dma_wait3A_93 : memref<116x128xf32, #tpu.memory_space<vmem_shared>>) dst(%dma_wait3A_91 : memref<116x128xf32, #tpu.memory_space<vmem>>)
      tpu.yield
    }) : () -> ()
    "tpu.region"() ({
      %run_scoped3A_74 = tpu.sem_alloc : memref<!tpu.dma_semaphore, #tpu.memory_space<semaphore_mem>>
      %dma_start3A_75 = arith.constant 0 : i32
      %dma_start3A_76 = arith.constant 0 : i32
      %dma_start3A_77 = tpu.memref_slice %arg10[%dma_start3A_75, %dma_start3A_76] : memref<128x128xf32, #tpu.memory_space<vmem>> -> memref<116x128xf32, #tpu.memory_space<vmem>>
      %dma_start3A_78 = arith.constant 0 : i32
      %dma_start3A_79 = tpu.memref_slice %arg4[%arg0, %add3A_73, %dma_start3A_78] : memref<2x10048x128xf32, #tpu.memory_space<hbm>> -> memref<1x116x128xf32, #tpu.memory_space<hbm>>
      %dma_start3A_80 = tpu.memref_squeeze %dma_start3A_79 : memref<1x116x128xf32, #tpu.memory_space<hbm>> -> memref<116x128xf32, #tpu.memory_space<hbm>>
      %dma_start3A_81 = arith.constant 0 : i32
      %dma_start3A_82 = tpu.memref_slice %arg4[%arg0, %add3A_73, %dma_start3A_81] : memref<2x10048x128xf32, #tpu.memory_space<hbm>> -> memref<1x116x128xf32, #tpu.memory_space<hbm>>
      %dma_start3A_83 = tpu.memref_squeeze %dma_start3A_82 : memref<1x116x128xf32, #tpu.memory_space<hbm>> -> memref<116x128xf32, #tpu.memory_space<hbm>>
      %dma_start3A_84 = arith.constant 0 : i32
      %dma_start3A_85 = arith.constant 0 : i32
      %dma_start3A_86 = tpu.memref_slice %arg10[%dma_start3A_84, %dma_start3A_85] : memref<128x128xf32, #tpu.memory_space<vmem>> -> memref<116x128xf32, #tpu.memory_space<vmem>>
      tpu.enqueue_dma source(%dma_start3A_86 : memref<116x128xf32, #tpu.memory_space<vmem>>) target(%dma_start3A_83 : memref<116x128xf32, #tpu.memory_space<hbm>>) target_semaphore(%run_scoped3A_74 : memref<!tpu.dma_semaphore, #tpu.memory_space<semaphore_mem>>)
      %dma_wait3A = arith.constant 0 : i32
      %dma_wait3A_87 = arith.constant 0 : i32
      %dma_wait3A_88 = tpu.memref_slice %arg10[%dma_wait3A, %dma_wait3A_87] : memref<128x128xf32, #tpu.memory_space<vmem>> -> memref<116x128xf32, #tpu.memory_space<vmem>>
      %dma_wait3A_89 = arith.constant 0 : i32
      %dma_wait3A_90 = tpu.memref_slice %arg4[%arg0, %add3A_73, %dma_wait3A_89] : memref<2x10048x128xf32, #tpu.memory_space<hbm>> -> memref<1x116x128xf32, #tpu.memory_space<hbm>>
      %dma_wait3A_91 = tpu.memref_squeeze %dma_wait3A_90 : memref<1x116x128xf32, #tpu.memory_space<hbm>> -> memref<116x128xf32, #tpu.memory_space<hbm>>
      %dma_wait3A_92 = arith.constant 0 : i32
      %dma_wait3A_93 = tpu.memref_slice %arg4[%arg0, %add3A_73, %dma_wait3A_92] : memref<2x10048x128xf32, #tpu.memory_space<hbm>> -> memref<1x116x128xf32, #tpu.memory_space<hbm>>
      %dma_wait3A_94 = tpu.memref_squeeze %dma_wait3A_93 : memref<1x116x128xf32, #tpu.memory_space<hbm>> -> memref<116x128xf32, #tpu.memory_space<hbm>>
      %dma_wait3A_95 = arith.constant 0 : i32
      %dma_wait3A_96 = arith.constant 0 : i32
      %dma_wait3A_97 = tpu.memref_slice %arg10[%dma_wait3A_95, %dma_wait3A_96] : memref<128x128xf32, #tpu.memory_space<vmem>> -> memref<116x128xf32, #tpu.memory_space<vmem>>
      tpu.wait_dma2 semaphore(%run_scoped3A_74 : memref<!tpu.dma_semaphore, #tpu.memory_space<semaphore_mem>>) src(%dma_wait3A_97 : memref<116x128xf32, #tpu.memory_space<vmem>>) dst(%dma_wait3A_94 : memref<116x128xf32, #tpu.memory_space<hbm>>)
      tpu.yield
    }) : () -> ()
    "tpu.region"() ({
      %run_scoped3A_74 = tpu.sem_alloc : memref<!tpu.dma_semaphore, #tpu.memory_space<semaphore_mem>>
      %dma_start3A_75 = arith.constant 0 : i32
      %dma_start3A_76 = arith.constant 0 : i32
      %dma_start3A_77 = tpu.memref_slice %arg12[%dma_start3A_75, %dma_start3A_76] : memref<128x16xf32, #tpu.memory_space<vmem>> -> memref<116x16xf32, #tpu.memory_space<vmem>>
      %dma_start3A_78 = arith.constant 0 : i32
      %dma_start3A_79 = tpu.memref_slice %arg14[%add3A_73, %dma_start3A_78] : memref<10048x16xf32, #tpu.memory_space<vmem_shared>> -> memref<116x16xf32, #tpu.memory_space<vmem_shared>>
      %dma_start3A_80 = arith.constant 0 : i32
      %dma_start3A_81 = arith.constant 0 : i32
      %dma_start3A_82 = tpu.memref_slice %arg12[%dma_start3A_80, %dma_start3A_81] : memref<128x16xf32, #tpu.memory_space<vmem>> -> memref<116x16xf32, #tpu.memory_space<vmem>>
      %dma_start3A_83 = arith.constant 0 : i32
      %dma_start3A_84 = tpu.memref_slice %arg14[%add3A_73, %dma_start3A_83] : memref<10048x16xf32, #tpu.memory_space<vmem_shared>> -> memref<116x16xf32, #tpu.memory_space<vmem_shared>>
      tpu.enqueue_dma source(%dma_start3A_84 : memref<116x16xf32, #tpu.memory_space<vmem_shared>>) target(%dma_start3A_82 : memref<116x16xf32, #tpu.memory_space<vmem>>) target_semaphore(%run_scoped3A_74 : memref<!tpu.dma_semaphore, #tpu.memory_space<semaphore_mem>>)
      %dma_wait3A = arith.constant 0 : i32
      %dma_wait3A_85 = arith.constant 0 : i32
      %dma_wait3A_86 = tpu.memref_slice %arg12[%dma_wait3A, %dma_wait3A_85] : memref<128x16xf32, #tpu.memory_space<vmem>> -> memref<116x16xf32, #tpu.memory_space<vmem>>
      %dma_wait3A_87 = arith.constant 0 : i32
      %dma_wait3A_88 = tpu.memref_slice %arg14[%add3A_73, %dma_wait3A_87] : memref<10048x16xf32, #tpu.memory_space<vmem_shared>> -> memref<116x16xf32, #tpu.memory_space<vmem_shared>>
      %dma_wait3A_89 = arith.constant 0 : i32
      %dma_wait3A_90 = arith.constant 0 : i32
      %dma_wait3A_91 = tpu.memref_slice %arg12[%dma_wait3A_89, %dma_wait3A_90] : memref<128x16xf32, #tpu.memory_space<vmem>> -> memref<116x16xf32, #tpu.memory_space<vmem>>
      %dma_wait3A_92 = arith.constant 0 : i32
      %dma_wait3A_93 = tpu.memref_slice %arg14[%add3A_73, %dma_wait3A_92] : memref<10048x16xf32, #tpu.memory_space<vmem_shared>> -> memref<116x16xf32, #tpu.memory_space<vmem_shared>>
      tpu.wait_dma2 semaphore(%run_scoped3A_74 : memref<!tpu.dma_semaphore, #tpu.memory_space<semaphore_mem>>) src(%dma_wait3A_93 : memref<116x16xf32, #tpu.memory_space<vmem_shared>>) dst(%dma_wait3A_91 : memref<116x16xf32, #tpu.memory_space<vmem>>)
      tpu.yield
    }) : () -> ()
    "tpu.region"() ({
      %run_scoped3A_74 = tpu.sem_alloc : memref<!tpu.dma_semaphore, #tpu.memory_space<semaphore_mem>>
      %dma_start3A_75 = arith.constant 0 : i32
      %dma_start3A_76 = arith.constant 0 : i32
      %dma_start3A_77 = tpu.memref_slice %arg12[%dma_start3A_75, %dma_start3A_76] : memref<128x16xf32, #tpu.memory_space<vmem>> -> memref<116x16xf32, #tpu.memory_space<vmem>>
      %dma_start3A_78 = arith.constant 0 : i32
      %dma_start3A_79 = tpu.memref_slice %arg5[%arg0, %add3A_73, %dma_start3A_78] : memref<2x10048x16xf32, #tpu.memory_space<hbm>> -> memref<1x116x16xf32, #tpu.memory_space<hbm>>
      %dma_start3A_80 = tpu.memref_squeeze %dma_start3A_79 : memref<1x116x16xf32, #tpu.memory_space<hbm>> -> memref<116x16xf32, #tpu.memory_space<hbm>>
      %dma_start3A_81 = arith.constant 0 : i32
      %dma_start3A_82 = tpu.memref_slice %arg5[%arg0, %add3A_73, %dma_start3A_81] : memref<2x10048x16xf32, #tpu.memory_space<hbm>> -> memref<1x116x16xf32, #tpu.memory_space<hbm>>
      %dma_start3A_83 = tpu.memref_squeeze %dma_start3A_82 : memref<1x116x16xf32, #tpu.memory_space<hbm>> -> memref<116x16xf32, #tpu.memory_space<hbm>>
      %dma_start3A_84 = arith.constant 0 : i32
      %dma_start3A_85 = arith.constant 0 : i32
      %dma_start3A_86 = tpu.memref_slice %arg12[%dma_start3A_84, %dma_start3A_85] : memref<128x16xf32, #tpu.memory_space<vmem>> -> memref<116x16xf32, #tpu.memory_space<vmem>>
      tpu.enqueue_dma source(%dma_start3A_86 : memref<116x16xf32, #tpu.memory_space<vmem>>) target(%dma_start3A_83 : memref<116x16xf32, #tpu.memory_space<hbm>>) target_semaphore(%run_scoped3A_74 : memref<!tpu.dma_semaphore, #tpu.memory_space<semaphore_mem>>)
      %dma_wait3A = arith.constant 0 : i32
      %dma_wait3A_87 = arith.constant 0 : i32
      %dma_wait3A_88 = tpu.memref_slice %arg12[%dma_wait3A, %dma_wait3A_87] : memref<128x16xf32, #tpu.memory_space<vmem>> -> memref<116x16xf32, #tpu.memory_space<vmem>>
      %dma_wait3A_89 = arith.constant 0 : i32
      %dma_wait3A_90 = tpu.memref_slice %arg5[%arg0, %add3A_73, %dma_wait3A_89] : memref<2x10048x16xf32, #tpu.memory_space<hbm>> -> memref<1x116x16xf32, #tpu.memory_space<hbm>>
      %dma_wait3A_91 = tpu.memref_squeeze %dma_wait3A_90 : memref<1x116x16xf32, #tpu.memory_space<hbm>> -> memref<116x16xf32, #tpu.memory_space<hbm>>
      %dma_wait3A_92 = arith.constant 0 : i32
      %dma_wait3A_93 = tpu.memref_slice %arg5[%arg0, %add3A_73, %dma_wait3A_92] : memref<2x10048x16xf32, #tpu.memory_space<hbm>> -> memref<1x116x16xf32, #tpu.memory_space<hbm>>
      %dma_wait3A_94 = tpu.memref_squeeze %dma_wait3A_93 : memref<1x116x16xf32, #tpu.memory_space<hbm>> -> memref<116x16xf32, #tpu.memory_space<hbm>>
      %dma_wait3A_95 = arith.constant 0 : i32
      %dma_wait3A_96 = arith.constant 0 : i32
      %dma_wait3A_97 = tpu.memref_slice %arg12[%dma_wait3A_95, %dma_wait3A_96] : memref<128x16xf32, #tpu.memory_space<vmem>> -> memref<116x16xf32, #tpu.memory_space<vmem>>
      tpu.wait_dma2 semaphore(%run_scoped3A_74 : memref<!tpu.dma_semaphore, #tpu.memory_space<semaphore_mem>>) src(%dma_wait3A_97 : memref<116x16xf32, #tpu.memory_space<vmem>>) dst(%dma_wait3A_94 : memref<116x16xf32, #tpu.memory_space<hbm>>)
      tpu.yield
    }) : () -> ()
    return
  }
}

module attributes {stable_mosaic.version = 14 : i64} {
  func.func @body(%arg0: i32, %arg1: memref<2x1256x128xf32, #tpu.memory_space<vmem>>, %arg2: memref<2x1256x16xf32, #tpu.memory_space<vmem>>, %arg3: memref<128x128xf32, #tpu.memory_space<vmem>>, %arg4: memref<1x128xf32, #tpu.memory_space<vmem>>, %arg5: memref<1256x128xf32, #tpu.memory_space<vmem>>) attributes {dimension_semantics = [#tpu.dimension_semantics<arbitrary>], iteration_bounds = array<i64: 8>, scalar_prefetch = 0 : i64, scratch_operands = 0 : i64, tpu.core_type = #tpu.core_type<tc>, window_params = [{transform_indices = @transform_0, window_bounds = array<i64: 2, 1256, 128>}, {transform_indices = @transform_1, window_bounds = array<i64: 2, 1256, 16>}, {pipeline_mode = #tpu.pipeline_mode<synchronous>, transform_indices = @transform_2, window_bounds = array<i64: 128, 128>}, {pipeline_mode = #tpu.pipeline_mode<synchronous>, transform_indices = @transform_3, window_bounds = array<i64: 1, 128>}, {transform_indices = @transform_4, window_bounds = array<i64: 1256, 128>}]} {
    %get3A = arith.constant 0 : index
    %get3A_0 = arith.constant 0 : index
    %get3A_1 = arith.constant 0 : index
    %get3A_2 = vector.load %arg1[%get3A, %get3A_0, %get3A_1] : memref<2x1256x128xf32, #tpu.memory_space<vmem>>, vector<1x1256x128xf32>
    %get3A_3 = vector.shape_cast %get3A_2 : vector<1x1256x128xf32> to vector<1256x128xf32>
    %get3A_4 = arith.constant 1 : index
    %get3A_5 = arith.constant 0 : index
    %get3A_6 = arith.constant 0 : index
    %get3A_7 = vector.load %arg1[%get3A_4, %get3A_5, %get3A_6] : memref<2x1256x128xf32, #tpu.memory_space<vmem>>, vector<1x1256x128xf32>
    %get3A_8 = vector.shape_cast %get3A_7 : vector<1x1256x128xf32> to vector<1256x128xf32>
    %add3A = arith.addf %get3A_3, %get3A_8 : vector<1256x128xf32>
    %get3A_9 = arith.constant 0 : index
    %get3A_10 = arith.constant 0 : index
    %get3A_11 = arith.constant 0 : index
    %get3A_12 = vector.load %arg2[%get3A_9, %get3A_10, %get3A_11] : memref<2x1256x16xf32, #tpu.memory_space<vmem>>, vector<1x1256x16xf32>
    %get3A_13 = vector.shape_cast %get3A_12 : vector<1x1256x16xf32> to vector<1256x16xf32>
    %get3A_14 = arith.constant 1 : index
    %get3A_15 = arith.constant 0 : index
    %get3A_16 = arith.constant 0 : index
    %get3A_17 = vector.load %arg2[%get3A_14, %get3A_15, %get3A_16] : memref<2x1256x16xf32, #tpu.memory_space<vmem>>, vector<1x1256x16xf32>
    %get3A_18 = vector.shape_cast %get3A_17 : vector<1x1256x16xf32> to vector<1256x16xf32>
    %add3A_19 = arith.addf %get3A_13, %get3A_18 : vector<1256x16xf32>
    %slice3A = vector.extract_strided_slice %add3A_19 {offsets = [0, 0], sizes = [1256, 1], strides = [1, 1]} : vector<1256x16xf32> to vector<1256x1xf32>
    %max3A = arith.constant 1.000000e+00 : f32
    %max3A_20 = vector.broadcast %max3A : f32 to vector<1256x1xf32>
    %max3A_21 = arith.maximumf %slice3A, %max3A_20 : vector<1256x1xf32>
    %div3A = vector.broadcast %max3A_21 : vector<1256x1xf32> to vector<1256x128xf32>
    %div3A_22 = arith.divf %add3A, %div3A : vector<1256x128xf32>
    %get3A_23 = arith.constant 0 : index
    %get3A_24 = arith.constant 0 : index
    %get3A_25 = vector.load %arg3[%get3A_23, %get3A_24] : memref<128x128xf32, #tpu.memory_space<vmem>>, vector<128x128xf32>
    %dot_general3A = arith.constant dense<0.000000e+00> : vector<1256x128xf32>
    %dot_general3A_26 = tpu.matmul %div3A_22, %get3A_25, %dot_general3A {dimension_numbers = #tpu.dot_dimension_numbers<[1], [1], [0], [0], [0, 0, 1, 0], [], []>, transpose_lhs_hint = false} : vector<1256x128xf32>, vector<128x128xf32>, vector<1256x128xf32> -> vector<1256x128xf32>
    %get3A_27 = arith.constant 0 : index
    %get3A_28 = arith.constant 0 : index
    %get3A_29 = vector.load %arg4[%get3A_27, %get3A_28] : memref<1x128xf32, #tpu.memory_space<vmem>>, vector<1x128xf32>
    %add3A_30 = vector.broadcast %get3A_29 : vector<1x128xf32> to vector<1256x128xf32>
    %add3A_31 = arith.addf %dot_general3A_26, %add3A_30 : vector<1256x128xf32>
    %swap3A = arith.constant 0 : index
    %swap3A_32 = arith.constant 0 : index
    %swap3A_33 = vector.load %arg5[%swap3A, %swap3A_32] : memref<1256x128xf32, #tpu.memory_space<vmem>>, vector<1256x128xf32>
    tpu.vector_store %arg5[%swap3A, %swap3A_32], %add3A_31 {strides = array<i32>} : memref<1256x128xf32, #tpu.memory_space<vmem>>, vector<1256x128xf32>,
    return
  }
  func.func @transform_0(%arg0: i32) -> (i32, i32, i32) {
    %c0_i32 = arith.constant 0 : i32
    %c0_i32_0 = arith.constant 0 : i32
    %c0_i32_1 = arith.constant 0 : i32
    return %c0_i32, %arg0, %c0_i32_0 : i32, i32, i32
  }
  func.func @transform_1(%arg0: i32) -> (i32, i32, i32) {
    %c0_i32 = arith.constant 0 : i32
    %c0_i32_0 = arith.constant 0 : i32
    %c0_i32_1 = arith.constant 0 : i32
    return %c0_i32, %arg0, %c0_i32_0 : i32, i32, i32
  }
  func.func @transform_2(%arg0: i32) -> (i32, i32) {
    %c0_i32 = arith.constant 0 : i32
    %c0_i32_0 = arith.constant 0 : i32
    %c0_i32_1 = arith.constant 0 : i32
    return %c0_i32, %c0_i32_0 : i32, i32
  }
  func.func @transform_3(%arg0: i32) -> (i32, i32) {
    %c0_i32 = arith.constant 0 : i32
    %c0_i32_0 = arith.constant 0 : i32
    %c0_i32_1 = arith.constant 0 : i32
    return %c0_i32, %c0_i32_0 : i32, i32
  }
  func.func @transform_4(%arg0: i32) -> (i32, i32) {
    %c0_i32 = arith.constant 0 : i32
    %c0_i32_0 = arith.constant 0 : i32
    return %arg0, %c0_i32 : i32, i32
  }
}

</mosaic_0001>

<sc_bundles>
// kernel: kernel.4.cloned.1.call-start
scs
__scs_entry_jumppad:
0x0: {  	(pc) =	sbr.rel $0x88, $3  }
0x1: {  	(tag) =	ssettag $0x0;
	lr =	simm.s32 $0x1  }
0x2: {  	[smem:$0x3F9D] =	sst lr;
	_ =	strace $0xD0000000  }
0x3: {  	_ = 	snop  }
0x4: {  	_ = 	snop  }
0x5: {  	_ = 	snop  }
0x6: {  	_ = 	snop  }
0x7: {  	_ = 	snop  }
__scs_overlays_trampoline_lowered:
0x8: {  	[smem:$0x3FAC] =	sst s0  }
0x9: {  	[smem:$0x3FAD] =	sst s1  }
0xa: {  	[smem:$0x3FAE] =	sst s2  }
0xb: {  	[smem:$0x3FAF] =	sst s3  }
0xc: {  	[smem:$0x3FB0] =	sst s4  }
0xd: {  	[smem:$0x3FB1] =	sst s5  }
0xe: {  	[smem:$0x3FB2] =	sst s6  }
0xf: {  	[smem:$0x3FB3] =	sst s7  }
0x10: {  	[smem:$0x3FB4] =	sst s8  }
0x11: {  	[smem:$0x3FB5] =	sst s9;
	s0 =	simm.s32 @!p0 $0x0  }
0x12: {  	s1 =	sld [smem:$0x3F9B];
	s0 =	simm.s32 @p0 $0x1  }
0x13: {  	[smem:$0x3FB6] =	sst s0;
	s0 =	simm.s32 @!p1 $0x0  }
0x14: {  	s2 =	sld [smem:$0x3F9A];
	s0 =	simm.s32 @p1 $0x1  }
0x15: {  	[smem:$0x3FB7] =	sst s0;
	s0 =	simm.s32 @!p2 $0x0  }
0x16: {  	s3 =	sld [smem:$0x3FDB];
	s0 =	simm.s32 @p2 $0x1  }
0x17: {  	s4 =	simm.s32 $0x1BF5;
	[smem:$0x3FB9] =	sst s0  }
0x18: {  	s0 =	sld [smem:$0x3F9C];
	_ =	swait.ge [sflag:s4], $0x0  }
0x19: {  	s7 =	sld [smem:$0x3F9D]  }
0x1a: {  	s8 =	sadd.s32 $0xFFFFE003, lr  }
0x1b: {  	s9 =	sadd.s32 $0xFFFFFEF7, lr;
	s5 =	simm.s32 $0xFFFFFFFF;
	p2 =	slt.u32 s8, $0xFFFFF086  }
0x1c: {  	p1 =	slt.u32 s9, $0xF7A;
	s5 =	simm.s32 @!p2 $0x0  }
0x1d: {  	s5 =	simm.s32 @p1 $0x1;
	p0 =	seq.s32 s7, s2  }
0x1e: {  	s7 =	smul.u32 @!p0 $0xF7A, s2;
	p2 =	seq.s32 @!p0 s5, $0x0  }
0x1f: {  	s9 =	smul.u32 $0xF7A, s1;
	s8 =	simm.s32 @!p0 $0x1BF5;
	p2 =	por !p2, p0  }
0x20: {  	[sflag:s8] =	ssyncset.s32 @!p0 $0xFFFFF086;
	s6 =	sadd.s32 @!p0 s3, s7;
	s7 =	simm.s32 @!p0 $0x108  }
0x21: {  	s3 =	sadd.s32 s3, s9;
	s6 =	sadd.s32 @!p0 $0x88, s6;
	s7 =	simm.s32 @p2 $0x1082  }
0x22: {  	[simem:s7], [sflag:s8] =	dma.local @!p0 [hbm:s6], $0xF7A  }
0x23: {  	s9 =	sor.u32 $0xD0000000, s2;
	s6 =	simm.s32 $0x108;
	_ =	swait.ge @!p0 [sflag:s8], $0x0  }
0x24: {  	s3 =	sadd.s32 $0x88, s3;
	s6 =	simm.s32 @!p1 $0x1082;
	[sflag:s4] =	ssyncset.s32 $0xFFFFF086  }
0x25: {  	[simem:s6], [sflag:s4] =	dma.local [hbm:s3], $0xF7A  }
0x26: {  	[smem:$0x3F9D] =	sst s1;
	(tag) =	ssettag s2;
	_ =	strace s9  }
0x27: {  	s1 =	sld [smem:$0x3FAD]  }
0x28: {  	s2 =	sld [smem:$0x3FAE]  }
0x29: {  	s4 =	sld [smem:$0x3FB0]  }
0x2a: {  	p0 =	seq.s32 s5, $0x0;
	s5 =	sld [smem:$0x3FB1]  }
0x2b: {  	s6 =	sld [smem:$0x3FB2]  }
0x2c: {  	s7 =	sld [smem:$0x3FB3]  }
0x2d: {  	s3 =	simm.s32 $0x108;
	s8 =	sld [smem:$0x3FB4]  }
0x2e: {  	s3 =	simm.s32 @!p0 $0x1082;
	s9 =	sld [smem:$0x3FB5]  }
0x2f: {  	lr =	sadd.s32 s0, s3;
	s0 =	sld [smem:$0x3FAC]  }
0x30: {  	s3 =	sld [smem:$0x3FAF]  }
0x31: {  	[smem:$0x3FB8] =	sst s10  }
0x32: {  	s10 =	sld [smem:$0x3FB6];
	_ =	sdelay $0x3  }
0x33: {  	p0 =	seq.s32 s10, $0x1;
	s10 =	sld [smem:$0x3FB8];
	_ =	sdelay $0x3  }
0x34: {  	[smem:$0x3FB8] =	sst s10  }
0x35: {  	s10 =	sld [smem:$0x3FB7];
	_ =	sdelay $0x3  }
0x36: {  	p1 =	seq.s32 s10, $0x1;
	s10 =	sld [smem:$0x3FB8];
	_ =	sdelay $0x3  }
0x37: {  	[smem:$0x3FB8] =	sst s10  }
0x38: {  	s10 =	sld [smem:$0x3FB9]  }
0x39: {  	_ = 	snop;
	(pc) =	sbr.ind lr, $3  }
0x3a: {  	_ = 	snop  }
0x3b: {  	_ = 	snop  }
0x3c: {  	p2 =	seq.s32 s10, $0x1;
	s10 =	sld [smem:$0x3FB8]  }
0x3d: {  	_ =	shalt  }
0x3e: {  	_ =	shalt  }
0x3f: {  	_ =	shalt  }
0x40: {  	_ =	shalt  }
0x41: {  	_ =	shalt  }
0x42: {  	_ =	shalt  }
0x43: {  	_ =	shalt  }
0x44: {  	_ =	shalt  }
0x45: {  	_ =	shalt  }
0x46: {  	_ =	shalt  }
0x47: {  	_ =	shalt  }
0x48: {  	_ =	shalt  }
0x49: {  	_ =	shalt  }
0x4a: {  	_ =	shalt  }
0x4b: {  	_ =	shalt  }
0x4c: {  	_ =	shalt  }
0x4d: {  	_ =	shalt  }
0x4e: {  	_ =	shalt  }
0x4f: {  	_ =	shalt  }
0x50: {  	_ =	shalt  }
0x51: {  	_ =	shalt  }
0x52: {  	_ =	shalt  }
0x53: {  	_ =	shalt  }
0x54: {  	_ =	shalt  }
0x55: {  	_ =	shalt  }
0x56: {  	_ =	shalt  }
0x57: {  	_ =	shalt  }
0x58: {  	_ =	shalt  }
0x59: {  	_ =	shalt  }
0x5a: {  	_ =	shalt  }
0x5b: {  	_ =	shalt  }
0x5c: {  	_ =	shalt  }
0x5d: {  	_ =	shalt  }
0x5e: {  	_ =	shalt  }
0x5f: {  	_ =	shalt  }
0x60: {  	_ =	shalt  }
0x61: {  	_ =	shalt  }
0x62: {  	_ =	shalt  }
0x63: {  	_ =	shalt  }
0x64: {  	_ =	shalt  }
0x65: {  	_ =	shalt  }
0x66: {  	_ =	shalt  }
0x67: {  	_ =	shalt  }
0x68: {  	_ =	shalt  }
0x69: {  	_ =	shalt  }
0x6a: {  	_ =	shalt  }
0x6b: {  	_ =	shalt  }
0x6c: {  	_ =	shalt  }
0x6d: {  	_ =	shalt  }
0x6e: {  	_ =	shalt  }
0x6f: {  	_ =	shalt  }
0x70: {  	_ =	shalt  }
0x71: {  	_ =	shalt  }
0x72: {  	_ =	shalt  }
0x73: {  	_ =	shalt  }
0x74: {  	_ =	shalt  }
0x75: {  	_ =	shalt  }
0x76: {  	_ =	shalt  }
0x77: {  	_ =	shalt  }
0x78: {  	_ =	shalt  }
0x79: {  	_ =	shalt  }
0x7a: {  	_ =	shalt  }
0x7b: {  	_ =	shalt  }
0x7c: {  	_ =	shalt  }
0x7d: {  	_ =	shalt  }
0x7e: {  	_ =	shalt  }
0x7f: {  	_ =	shalt  }
0x80: {  	_ =	shalt  }
0x81: {  	_ =	shalt  }
0x82: {  	_ =	shalt  }
0x83: {  	_ =	shalt  }
0x84: {  	_ =	shalt  }
0x85: {  	_ =	shalt  }
0x86: {  	_ =	shalt  }
0x87: {  	_ =	shalt  }
.Lfunc_end0:
.L_simem_size_0:
called_computation_lowered:
.L_overlay_start_0:
0x88: {  	s2 =	sld [smem:$0x3FD9]  }
0x89: {  	s3 =	sld [smem:$0x3FFE];
	_ =	sdelay $0x1  }
0x8a: {  	s1 =	srdreg.scid  }
0x8b: {  	s0 =	sand.u32 $0x1, s1  }
0x8c: {  	s17 =	sshll.u32 s0, $0xA;
	s2 =	sadd.s32 s3, s2  }
0x8d: {  	s2 =	sadd.s32 s2, s17  }
0x8e: {  	[smem:$0x3FC4] =	sst s2  }
0x8f: {  	_ = 	snop  }
0x90: {  	s2 =	sld [smem:$0x3FC9]  }
0x91: {  	s18 =	sld [smem:$0x3FD0];
	(tm) =	ssettm $0x1  }
0x92: {  	s4 =	sld [smem:$0x3FFB];
	_ =	sdelay $0x3  }
0x93: {  	_ =	strace s4  }
0x94: {  	s4 =	sld [smem:$0x3FFC];
	_ =	sdelay $0x3  }
0x95: {  	_ =	strace s4  }
0x96: {  	s4 =	sld [smem:$0x3FFD];
	_ =	sdelay $0x3  }
0x97: {  	_ =	strace s4  }
0x98: {  	_ =	strace $0x8FFFFFFF  }
0x99: {  	s19 =	sld [smem:$0x3FDB];
	_ =	sdelay $0x1  }
0x9a: {  	s5 =	simm.s32 $_scs_section_size  }
0x9b: {  	s6 =	simm.s32 $_size__tile_overlayer_lowered;
	s7 =	simm.s32 $_tile_overlayer_lowered  }
0x9c: {  	s22 =	simm.s32 $0x1BFF;
	s21 =	sshll.u32 s7, $0x1;
	s4 =	sadd.s32 s5, s19  }
0x9d: {  	s8 =	simm.s32 $0x0;
	s20 =	sshll.u32 s6, $0x1;
	s6 =	sadd.s32 s21, s4  }
0x9e: {  	[timem:s8], [sflag:s22] =	dma.local [hbm:s6], s20  }
0x9f: {  	_ =	swait.ge [sflag:s22], s20  }
0xa0: {  	s5 =	ssub.s32 $0x0, s20;
	[sflag:s22] =	ssyncset.done $0x0  }
0xa1: {  	[sflag:s22] =	ssyncadd.s32 s5;
	_ =	sdelay $0x1  }
0xa2: {  	s23 =	simm.s32 $0x1B8B  }
0xa3: {  	_ =	swait.ge [sflag:s23], $0x1  }
0xa4: {  	[sflag:s23] =	ssyncset.done $0x0  }
0xa5: {  	s25 =	simm.s32 $0x1B8E;
	s24 =	sld [smem:$0x3FFE];
	[sflag:s23] =	ssyncadd.s32 $0xFFFFFFFF  }
0xa6: {  	s26 =	simm.s32 $execute0_lowered;
	[smem:$0x3FD2] =	sst s25  }
0xa7: {  	s6 =	sshll.u32 s26, $0x1;
	_ =	strace $0x80000046;
	[dreg:$0x1] =	wrdreg $0xFFFFFFFF  }
0xa8: {  	s28 =	simm.s32 $_size_execute0_lowered;
	s4 =	sadd.s32 s4, s6;
	[dreg:$0x0] =	wrdreg $0x0  }
0xa9: {  	s6 =	sshll.u32 s28, $0x1;
	[dreg:$0x2] =	wrdreg s4  }
0xaa: {  	[dreg:$0x3] =	wrdreg s6  }
0xab: {  	[dreg:$0x4] =	wrdreg $0xC0  }
0xac: {  	_ =	task [dreg:s8], $0x5FFFF  }
0xad: {  	[dreg:$0x1] =	wrdreg $0xFFFFFFFF  }
0xae: {  	[dreg:$0x0] =	wrdreg $0x60  }
0xaf: {  	[dreg:$0x2] =	wrdreg s2  }
0xb0: {  	[dreg:$0x3] =	wrdreg s18  }
0xb1: {  	[dreg:$0x4] =	wrdreg s24  }
0xb2: {  	[dreg:$0x5] =	wrdreg $0x92200  }
0xb3: {  	[dreg:$0x6] =	wrdreg $0x1CC200  }
0xb4: {  	[dreg:$0x7] =	wrdreg $0x9  }
0xb5: {  	_ =	task.clear_ibuf [dreg:s8], $0x8FFFF;
	_ =	strace $0x90000046  }
0xb6: {  	s29 =	simm.s32 $0x9;
	_ =	strace $0x80000048  }
0xb7: {  	_ =	swait.ge [sflag:s29], $0x1  }
0xb8: {  	[sflag:s29] =	ssyncadd.s32 $0xFFFFFFFF  }
0xb9: {  	_ =	strace $0x90000048  }
0xba: {  	_ =	sfence  }
0xbb: {  	s30 =	sld [smem:$0x0];
	_ =	sdelay $0x2  }
0xbc: {  	s31 =	sshll.u32 s1, $0xD;
	s1 =	sshrl.u32 s1, $0x2  }
0xbd: {  	s3 =	sand.u32 $0x4000, s31;
	s1 =	sadd.s32 s1, s30  }
0xbe: {  	s0 =	sor.u32 s3, s0;
	s1 =	sshll.u32 s1, $0x11  }
0xbf: {  	s0 =	sor.u32 s1, s0  }
0xc0: {  	s0 =	sadd.s32 $0x8F2B, s0  }
0xc1: {  	[sflag:s0] =	ssyncadd.remote.s32 $0x1  }
0xc2: {  	_ =	sfence.sel $0xFFFF  }
0xc3: {  	[dreg:$0x0] =	wrdreg $0xFFFFFFFF;
	(pc) =	sbr.abs _section_cstart, $3  }
0xc4: {  	[dreg:$0x1] =	wrdreg $0xFFFFFFFF  }
0xc5: {  	_ =	task.clear_ibuf [dreg:s8], $0x2FFFF;
	_ =	strace $0x9FFFFFFF  }
0xc6: {  	(tm) =	ssettm $0x7FFFFFFF  }
0xc7: {  	_ =	shalt  }
tec
execute0_lowered:
.L_overlay_start_1:
0x0: {  	(tag) =	ssettag $0x1  }
0x1: {  	s0 =	rddreg [dreg:$0x0]  }
0x2: {  	s1 =	srdreg.scid;
	s3 =	rddreg [dreg:$0x2]  }
0x3: {  	s2 =	simm.s32 $0x0;
	s21 =	stileid.u32;
	s29 =	simm.s32 $0x3  }
0x4: {  	s28 =	simm.s32 $0x8A20;
	s4 =	sand.u32 $0x1, s1;
	s6 =	smul.u32 $0x274, s21  }
0x5: {  	[smem:$0x7FF] =	sst s2;
	s7 =	sadd.s32 $0xAC00, s3;
	s13 =	smul.u32 $0x2740, s21  }
0x6: {  	s3 =	sadd.s32 $0xE00, s3;
	s1 =	ssub.s32 $0x2, s4;
	s14 =	smul.u32 $0x13A000, s4  }
0x7: {  	s15 =	smul.u32 $0x27400, s4;
	s5 =	sshrl.u32 s1, $0x1;
	s8 =	sadd.s32 $0x80, s6  }
0x8: {  	s9 =	sadd.s32 $0x100, s6;
	s12 =	sadd.s32 $0x180, s6;
	s6 =	sadd.s32 $0x200, s6  }
0x9: {  	s1 =	ssub.s32 s1, s5;
	s5 =	smul.u32 $0x13A00, s21;
	s10 =	sshll.u32 s8, $0x7  }
0xa: {  	s11 =	sshll.u32 s9, $0x7;
	s16 =	sshll.u32 s12, $0x7;
	s17 =	sshll.u32 s6, $0x7  }
0xb: {  	s8 =	sshll.u32 s8, $0x4;
	s9 =	sshll.u32 s9, $0x4;
	s23 =	sadd.s32 s13, s15  }
0xc: {  	s19 =	sshll.u32 s12, $0x4;
	s6 =	sshll.u32 s6, $0x4;
	s24 =	sshrl.u32 s23, $0x3  }
0xd: {  	s25 =	sadd.s32 s14, s10;
	s26 =	sadd.s32 s14, s11;
	s20 =	sadd.s32 s15, s8  }
0xe: {  	s23 =	sadd.s32 s15, s19;
	s1 =	smax.u32 s1, $0x1;
	s18 =	sadd.s32 s5, s14  }
0xf: {  	s31 =	sshrl.u32 s20, $0x3;
	s20 =	sadd.s32 s15, s9;
	s22 =	sshrl.u32 s18, $0x3  }
0x10: {  	s18 =	sshrl.u32 s26, $0x3;
	s26 =	sshll.u32 s4, $0x4;
	s12 =	sadd.s32 s7, s22  }
0x11: {  	s18 =	sadd.s32 s7, s18;
	s22 =	sadd.s32 s14, s16;
	[dreg:$0x6] =	wrdreg s12  }
0x12: {  	s12 =	sadd.s32 s3, s24;
	[dreg:$0x9] =	wrdreg s18;
	s18 =	sshrl.u32 s20, $0x3  }
0x13: {  	s20 =	sshrl.u32 s22, $0x3;
	[dreg:$0x7] =	wrdreg s12;
	s12 =	sshrl.u32 s25, $0x3  }
0x14: {  	s20 =	sadd.s32 s7, s20;
	s25 =	sadd.s32 s15, s6;
	s15 =	rddreg [dreg:$0x4]  }
0x15: {  	s14 =	sadd.s32 s14, s17;
	s24 =	sadd.s32 s3, s18;
	[dreg:$0xa] =	wrdreg s20  }
0x16: {  	s4 =	smul.u32 $0x27100, s4;
	s14 =	sshrl.u32 s14, $0x3;
	[dreg:$0xd] =	wrdreg s24  }
0x17: {  	s12 =	sadd.s32 s7, s12;
	s7 =	sadd.s32 s7, s14;
	s14 =	rddreg [dreg:$0x3]  }
0x18: {  	s20 =	sadd.s32 s13, s15;
	s13 =	sadd.s32 s6, s15;
	[dreg:$0x8] =	wrdreg s12  }
0x19: {  	s6 =	simm.s32 $0x80;
	[dreg:$0xb] =	wrdreg s7;
	s12 =	sadd.s32 s3, s31  }
0x1a: {  	s7 =	sshrl.u32 s23, $0x3;
	s31 =	smul.u32 $0x2710, s21;
	s22 =	sadd.s32 s5, s14  }
0x1b: {  	s23 =	sadd.s32 s10, s14;
	s24 =	sadd.s32 s11, s14;
	s10 =	sadd.s32 s9, s15  }
0x1c: {  	s11 =	sadd.s32 s19, s15;
	s5 =	simm.s32 $0x8220;
	[dreg:$0xc] =	wrdreg s12  }
0x1d: {  	s9 =	simm.s32 $0x1;
	s7 =	sadd.s32 s3, s7;
	s12 =	rddreg [dreg:$0x1]  }
0x1e: {  	[dreg:$0xe] =	wrdreg s7;
	s7 =	sshrl.u32 s25, $0x3;
	s4 =	sadd.s32 s31, s4  }
0x1f: {  	s25 =	sadd.s32 s16, s14;
	s3 =	sadd.s32 s3, s7;
	s7 =	sor.u32 s21, s26  }
0x20: {  	s26 =	sadd.s32 s17, s14;
	s21 =	sadd.s32 s8, s15;
	s16 =	sadd.s32 $0x180, s4  }
0x21: {  	s18 =	sadd.s32 $0x100, s4;
	s4 =	simm.s32 $0x5;
	[dreg:$0xf] =	wrdreg s3  }
0x22: {  	s8 =	simm.s32 $0x100;
	_ =	strace $0x80000047;
	[dreg:$0x10] =	wrdreg s10  }
0x23: {  	s3 =	smul.u32 $0x2710, s7;
	s17 =	sshrl.u32 s16, $0x3;
	[dreg:$0x11] =	wrdreg s11  }
0x24: {  	s7 =	simm.s32 $0x4E200;
	s16 =	simm.s32 $0x2;
	[dreg:$0x12] =	wrdreg s13  }
0x25: {  	[dreg:$0x14] =	wrdreg s1;
	s30 =	sadd.s32 s17, s12;
	s3 =	sshrl.u32 s3, $0x3  }
0x26: {  	[dreg:$0x15] =	wrdreg s18;
	s10 =	simm.s32 $0x4;
	s3 =	sadd.s32 s12, s3  }
0x27: {  	s11 =	simm.s32 $0x4220;
	s19 =	sadd.s32 $0x10, s3;
	[dreg:$0x13] =	wrdreg s3  }
0x28: {  	s13 =	simm.s32 $0x180;
	s31 =	sadd.s32 $0x4E0, s3;
	[dreg:$0x16] =	wrdreg s19  }
0x29: {  	v0 =	vimm.f32 $0.0e+00;
	v1 =	vimm.f32 $1.000000000e+00;
	s17 =	simm.s32 $0x0;
	s3 =	simm.s32 $0x220;
	[dreg:$0x17] =	wrdreg s31  }
.LBB2_1:
0x2a: {  	s18 =	simm.s32 $0x0;
	s19 =	simm.s32 $0x200  }
.LBB2_2:
0x2b: {  	p0 =	sne.s32 s19, $0xFE00;
	[tilespmem:s18+$0x290] =	vst v0  }
0x2c: {  	[tilespmem:s18+$0x220] =	vst v0  }
0x2d: {  	[tilespmem:s18+$0x230] =	vst v0  }
.Ltmp0:
0x2e: {  	[tilespmem:s18+$0x240] =	vst v0;
	(pc) =	sbr.rel @p0 .LBB2_2-.Ltmp0, $4  }
0x2f: {  	[tilespmem:s18+$0x250] =	vst v0  }
0x30: {  	[tilespmem:s18+$0x260] =	vst v0  }
0x31: {  	[tilespmem:s18+$0x270] =	vst v0  }
0x32: {  	[tilespmem:s18+$0x280] =	vst v0;
	s18 =	sshra.s32 s19, $0x2;
	s19 =	sadd.s32 $0x200, s19  }
0x33: {  	[tilespmem:s18+$0x290] =	vst v0  }
0x34: {  	[tilespmem:s18+$0x220] =	vst v0  }
0x35: {  	[tilespmem:s18+$0x230] =	vst v0  }
0x36: {  	[tilespmem:s18+$0x240] =	vst v0  }
0x37: {  	[tilespmem:s18+$0x250] =	vst v0  }
0x38: {  	[tilespmem:s18+$0x260] =	vst v0  }
0x39: {  	[tilespmem:s18+$0x270] =	vst v0  }
0x3a: {  	[tilespmem:s18+$0x280] =	vst v0  }
0x3b: {  	[spmem:s22] =	stream.linear.scatter [tilespmem:s3], [sflag:$0x5], $0x4000, $0x38;
	[tilespmem:$0x1F360] =	vst v63  }
0x3c: {  	_ =	swait.ge [sflag:s4], $0x4000  }
0x3d: {  	[sflag:s4] =	ssyncset.done $0x0  }
0x3e: {  	[sflag:s4] =	ssyncadd.s32 $0xFFFFC000  }
0x3f: {  	[spmem:s23] =	stream.linear.scatter [tilespmem:s3], [sflag:$0x5], $0x4000, $0x38;
	[tilespmem:$0x1F360] =	vst v63  }
0x40: {  	_ =	swait.ge [sflag:s4], $0x4000  }
0x41: {  	[sflag:s4] =	ssyncset.done $0x0  }
0x42: {  	[sflag:s4] =	ssyncadd.s32 $0xFFFFC000  }
0x43: {  	[spmem:s24] =	stream.linear.scatter [tilespmem:s3], [sflag:$0x5], $0x4000, $0x38;
	[tilespmem:$0x1F360] =	vst v63  }
0x44: {  	_ =	swait.ge [sflag:s4], $0x4000  }
0x45: {  	[sflag:s4] =	ssyncset.done $0x0  }
0x46: {  	[sflag:s4] =	ssyncadd.s32 $0xFFFFC000  }
0x47: {  	[spmem:s25] =	stream.linear.scatter [tilespmem:s3], [sflag:$0x5], $0x4000, $0x38;
	[tilespmem:$0x1F360] =	vst v63  }
0x48: {  	_ =	swait.ge [sflag:s4], $0x4000  }
0x49: {  	[sflag:s4] =	ssyncset.done $0x0  }
0x4a: {  	[sflag:s4] =	ssyncadd.s32 $0xFFFFC000  }
0x4b: {  	[spmem:s26] =	stream.linear.scatter [tilespmem:s3], [sflag:$0x5], $0x3A00, $0x38;
	[tilespmem:$0x1F360] =	vst v63  }
0x4c: {  	_ =	swait.ge [sflag:s4], $0x3A00  }
0x4d: {  	[sflag:s4] =	ssyncset.done $0x0  }
0x4e: {  	s18 =	simm.s32 $0x40;
	s19 =	simm.s32 $0x0;
	[sflag:s4] =	ssyncadd.s32 $0xFFFFC600  }
.LBB2_4:
0x4f: {  	p0 =	sne.s32 s18, $0x1FC0;
	[tilespmem:s19+$0x8220] =	vst v0;
	s19 =	smov.u32 s18;
	s18 =	sadd.s32 $0x40, s18  }
.Ltmp1:
0x50: {  	(pc) =	sbr.rel @p0 .LBB2_4-.Ltmp1, $2  }
0x51: {  	_ =	sdelay $0x2  }
0x52: {  	s19 =	sshra.s32 s19, $0x2  }
0x53: {  	[tilespmem:s19+$0x8220] =	vst v0  }
0x54: {  	[spmem:s20] =	stream.linear.scatter [tilespmem:s5], [sflag:$0x5], $0x800, $0x38;
	[tilespmem:$0x1F360] =	vst v63  }
0x55: {  	_ =	swait.ge [sflag:s4], $0x800  }
0x56: {  	[sflag:s4] =	ssyncset.done $0x0  }
0x57: {  	[sflag:s4] =	ssyncadd.s32 $0xFFFFF800  }
0x58: {  	[spmem:s21] =	stream.linear.scatter [tilespmem:s5], [sflag:$0x5], $0x800, $0x38;
	[tilespmem:$0x1F360] =	vst v63  }
0x59: {  	_ =	swait.ge [sflag:s4], $0x800  }
0x5a: {  	[sflag:s4] =	ssyncset.done $0x0  }
0x5b: {  	s18 =	rddreg [dreg:$0x10];
	[sflag:s4] =	ssyncadd.s32 $0xFFFFF800  }
0x5c: {  	[spmem:s18] =	stream.linear.scatter [tilespmem:s5], [sflag:$0x5], $0x800, $0x38;
	[tilespmem:$0x1F360] =	vst v63  }
0x5d: {  	_ =	swait.ge [sflag:s4], $0x800  }
0x5e: {  	[sflag:s4] =	ssyncset.done $0x0  }
0x5f: {  	s31 =	smov.u32 s20;
	s20 =	rddreg [dreg:$0x11];
	[sflag:s4] =	ssyncadd.s32 $0xFFFFF800  }
0x60: {  	[spmem:s20] =	stream.linear.scatter [tilespmem:s5], [sflag:$0x5], $0x800, $0x38;
	[tilespmem:$0x1F360] =	vst v63  }
0x61: {  	_ =	swait.ge [sflag:s4], $0x800  }
0x62: {  	[sflag:s4] =	ssyncset.done $0x0  }
0x63: {  	s1 =	smov.u32 s21;
	s21 =	rddreg [dreg:$0x12];
	[sflag:s4] =	ssyncadd.s32 $0xFFFFF800  }
0x64: {  	[spmem:s21] =	stream.linear.scatter [tilespmem:s5], [sflag:$0x5], $0x740, $0x38;
	[tilespmem:$0x1F360] =	vst v63  }
0x65: {  	_ =	swait.ge [sflag:s4], $0x740  }
0x66: {  	[sflag:s4] =	ssyncset.done $0x0  }
0x67: {  	s19 =	simm.s32 $0x0;
	s18 =	simm.s32 $0x40;
	[sflag:s4] =	ssyncadd.s32 $0xFFFFF8C0  }
.LBB2_6:
0x68: {  	p0 =	sne.s32 s18, $0x1FC0;
	[tilespmem:s19+$0x8220] =	vst v1;
	s19 =	smov.u32 s18;
	s18 =	sadd.s32 $0x40, s18  }
.Ltmp2:
0x69: {  	(pc) =	sbr.rel @p0 .LBB2_6-.Ltmp2, $2  }
0x6a: {  	_ =	sdelay $0x2  }
0x6b: {  	s19 =	sshra.s32 s19, $0x2  }
0x6c: {  	[tilespmem:s19+$0x8220] =	vst v1  }
0x6d: {  	[bflag:$0x0] =	sbarrier.arrive $0xFFFF  }
0x6e: {  	s18 =	simm.s32 $0x0;
	s21 =	rddreg [dreg:$0x13]  }
0x6f: {  	[tilespmem:s18], [sflag:$0x5] =	stream.strided.gather [hbm4b:s21+s6], $0x100, s7, s6, $0x38;
	[tilespmem:$0x1F360] =	vst v63  }
0x70: {  	_ =	swait.ge [sflag:s4], $0x100  }
0x71: {  	[sflag:s4] =	ssyncset.done $0x0  }
0x72: {  	[sflag:s4] =	ssyncadd.s32 $0xFFFFFF00  }
0x73: {  	[tilespmem:s3], [sflag:$0x1] =	stream.indirect.gather [hbm4b:s0+s6], $0x80, s18, s6, $0xb8;
	[tilespmem:$0x1F360] =	vst v63  }
0x74: {  	s20 =	rddreg [dreg:$0x16]  }
0x75: {  	[tilespmem:s8], [sflag:$0x4] =	stream.strided.gather [hbm4b:s20+s6], $0x100, s7, s6, $0x38;
	[tilespmem:$0x1F360] =	vst v63  }
0x76: {  	_ =	swait.ge [sflag:s9], $0x4000  }
0x77: {  	[sflag:s9] =	ssyncset.done $0x0  }
0x78: {  	[sflag:s9] =	ssyncadd.s32 $0xFFFFC000  }
0x79: {  	_ =	swait.ge [sflag:s10], $0x100  }
0x7a: {  	[sflag:s10] =	ssyncset.done $0x0  }
0x7b: {  	[sflag:s10] =	ssyncadd.s32 $0xFFFFFF00  }
0x7c: {  	[tilespmem:s11], [sflag:$0x2] =	stream.indirect.gather [hbm4b:s0+s6], $0x80, s8, s6, $0xb8;
	[tilespmem:$0x1F360] =	vst v63  }
0x7d: {  	_ = 	snop  }
0x7e: {  	[spmem:s14] =	stream.indirect.scatter.add.f32 [tilespmem:s3], [sflag:$0x5], $0x80, s6, s6, $0xb8;
	[tilespmem:$0x1F360] =	vst v63  }
0x7f: {  	_ =	swait.ge [sflag:s4], $0x4000  }
0x80: {  	[sflag:s4] =	ssyncset.done $0x0  }
0x81: {  	[sflag:s4] =	ssyncadd.s32 $0xFFFFC000  }
0x82: {  	[spmem:s15] =	stream.indirect.scatter.add.f32 [tilespmem:s5], [sflag:$0x5], $0x10, s6, s6, $0xb8;
	[tilespmem:$0x1F360] =	vst v63  }
0x83: {  	_ =	swait.ge [sflag:s4], $0x800  }
0x84: {  	s19 =	rddreg [dreg:$0x15]  }
0x85: {  	[sflag:s4] =	ssyncset.done $0x0;
	s21 =	sshrl.u32 s19, $0x3  }
0x86: {  	[sflag:s4] =	ssyncadd.s32 $0xFFFFF800;
	s18 =	sadd.s32 s12, s21  }
0x87: {  	[tilespmem:s2], [sflag:$0x3] =	stream.strided.gather [hbm4b:s18+s6], $0x100, s7, s6, $0x38;
	[tilespmem:$0x1F360] =	vst v63  }
0x88: {  	_ =	swait.ge [sflag:s16], $0x4000  }
0x89: {  	[sflag:s16] =	ssyncset.done $0x0  }
0x8a: {  	[sflag:s16] =	ssyncadd.s32 $0xFFFFC000  }
0x8b: {  	_ =	swait.ge [sflag:s29], $0x100  }
0x8c: {  	[sflag:s29] =	ssyncset.done $0x0  }
0x8d: {  	[sflag:s29] =	ssyncadd.s32 $0xFFFFFF00  }
0x8e: {  	[tilespmem:s3], [sflag:$0x1] =	stream.indirect.gather [hbm4b:s0+s6], $0x80, s2, s6, $0xb8;
	[tilespmem:$0x1F360] =	vst v63  }
0x8f: {  	_ = 	snop  }
0x90: {  	[spmem:s14] =	stream.indirect.scatter.add.f32 [tilespmem:s11], [sflag:$0x5], $0x80, s13, s6, $0xb8;
	[tilespmem:$0x1F360] =	vst v63  }
0x91: {  	_ =	swait.ge [sflag:s4], $0x4000  }
0x92: {  	[sflag:s4] =	ssyncset.done $0x0  }
0x93: {  	[sflag:s4] =	ssyncadd.s32 $0xFFFFC000  }
0x94: {  	[spmem:s15] =	stream.indirect.scatter.add.f32 [tilespmem:s5], [sflag:$0x5], $0x10, s13, s6, $0xb8;
	[tilespmem:$0x1F360] =	vst v63  }
0x95: {  	_ =	swait.ge [sflag:s4], $0x800  }
0x96: {  	s20 =	sadd.s32 $0x0, s30;
	[sflag:s4] =	ssyncset.done $0x0  }
0x97: {  	s19 =	sadd.s32 $0x100, s19;
	s18 =	simm.s32 $0x20;
	[sflag:s4] =	ssyncadd.s32 $0xFFFFF800  }
.LBB2_8:
0x98: {  	[tilespmem:s8], [sflag:$0x4] =	stream.strided.gather [hbm4b:s20+s6], $0x100, s7, s6, $0x38;
	[tilespmem:$0x1F360] =	vst v63  }
0x99: {  	s20 =	smov.u32 s18  }
0x9a: {  	p0 =	sne.s32 s18, $0x4A0;
	s18 =	sadd.s32 $0x20, s18;
	_ =	swait.ge [sflag:s9], $0x4000  }
0x9b: {  	[sflag:s9] =	ssyncset.done $0x0  }
0x9c: {  	[sflag:s9] =	ssyncadd.s32 $0xFFFFC000  }
0x9d: {  	_ =	swait.ge [sflag:s10], $0x100  }
0x9e: {  	[sflag:s10] =	ssyncset.done $0x0  }
0x9f: {  	[sflag:s10] =	ssyncadd.s32 $0xFFFFFF00  }
0xa0: {  	[tilespmem:s11], [sflag:$0x2] =	stream.indirect.gather [hbm4b:s0+s6], $0x80, s8, s6, $0xb8;
	[tilespmem:$0x1F360] =	vst v63  }
0xa1: {  	_ = 	snop  }
0xa2: {  	[spmem:s14] =	stream.indirect.scatter.add.f32 [tilespmem:s3], [sflag:$0x5], $0x80, s6, s6, $0xb8;
	[tilespmem:$0x1F360] =	vst v63  }
0xa3: {  	_ =	swait.ge [sflag:s4], $0x4000  }
0xa4: {  	[sflag:s4] =	ssyncset.done $0x0  }
0xa5: {  	[sflag:s4] =	ssyncadd.s32 $0xFFFFC000  }
0xa6: {  	[spmem:s15] =	stream.indirect.scatter.add.f32 [tilespmem:s5], [sflag:$0x5], $0x10, s6, s6, $0xb8;
	[tilespmem:$0x1F360] =	vst v63  }
0xa7: {  	_ =	swait.ge [sflag:s4], $0x800  }
0xa8: {  	s21 =	sshrl.u32 s19, $0x3;
	[sflag:s4] =	ssyncset.done $0x0  }
0xa9: {  	s21 =	sadd.s32 s12, s21;
	[sflag:s4] =	ssyncadd.s32 $0xFFFFF800  }
0xaa: {  	[tilespmem:s2], [sflag:$0x3] =	stream.strided.gather [hbm4b:s21+s6], $0x100, s7, s6, $0x38;
	[tilespmem:$0x1F360] =	vst v63  }
0xab: {  	_ =	swait.ge [sflag:s16], $0x4000  }
0xac: {  	[sflag:s16] =	ssyncset.done $0x0  }
0xad: {  	[sflag:s16] =	ssyncadd.s32 $0xFFFFC000  }
0xae: {  	_ =	swait.ge [sflag:s29], $0x100  }
0xaf: {  	[sflag:s29] =	ssyncset.done $0x0  }
0xb0: {  	[sflag:s29] =	ssyncadd.s32 $0xFFFFFF00  }
0xb1: {  	[tilespmem:s3], [sflag:$0x1] =	stream.indirect.gather [hbm4b:s0+s6], $0x80, s2, s6, $0xb8;
	[tilespmem:$0x1F360] =	vst v63  }
0xb2: {  	_ = 	snop  }
0xb3: {  	[spmem:s14] =	stream.indirect.scatter.add.f32 [tilespmem:s11], [sflag:$0x5], $0x80, s13, s6, $0xb8;
	[tilespmem:$0x1F360] =	vst v63  }
0xb4: {  	_ =	swait.ge [sflag:s4], $0x4000  }
0xb5: {  	[sflag:s4] =	ssyncset.done $0x0  }
.Ltmp3:
0xb6: {  	[sflag:s4] =	ssyncadd.s32 $0xFFFFC000;
	(pc) =	sbr.rel @p0 .LBB2_8-.Ltmp3, $4  }
0xb7: {  	[spmem:s15] =	stream.indirect.scatter.add.f32 [tilespmem:s5], [sflag:$0x5], $0x10, s13, s6, $0xb8;
	[tilespmem:$0x1F360] =	vst v63  }
0xb8: {  	_ =	swait.ge [sflag:s4], $0x800  }
0xb9: {  	[sflag:s4] =	ssyncset.done $0x0  }
0xba: {  	s19 =	sadd.s32 $0x100, s19;
	s20 =	sadd.s32 s20, s30;
	[sflag:s4] =	ssyncadd.s32 $0xFFFFF800  }
0xbb: {  	[tilespmem:s8], [sflag:$0x4] =	stream.strided.gather [hbm4b:s20+s6], $0x100, s7, s6, $0x38;
	[tilespmem:$0x1F360] =	vst v63  }
0xbc: {  	_ =	swait.ge [sflag:s9], $0x4000  }
0xbd: {  	[sflag:s9] =	ssyncset.done $0x0  }
0xbe: {  	[sflag:s9] =	ssyncadd.s32 $0xFFFFC000  }
0xbf: {  	_ =	swait.ge [sflag:s10], $0x100  }
0xc0: {  	[sflag:s10] =	ssyncset.done $0x0  }
0xc1: {  	[sflag:s10] =	ssyncadd.s32 $0xFFFFFF00  }
0xc2: {  	[tilespmem:s11], [sflag:$0x2] =	stream.indirect.gather [hbm4b:s0+s6], $0x80, s8, s6, $0xb8;
	[tilespmem:$0x1F360] =	vst v63  }
0xc3: {  	_ = 	snop  }
0xc4: {  	[spmem:s14] =	stream.indirect.scatter.add.f32 [tilespmem:s3], [sflag:$0x5], $0x80, s6, s6, $0xb8;
	[tilespmem:$0x1F360] =	vst v63  }
0xc5: {  	_ =	swait.ge [sflag:s4], $0x4000  }
0xc6: {  	[sflag:s4] =	ssyncset.done $0x0  }
0xc7: {  	[sflag:s4] =	ssyncadd.s32 $0xFFFFC000  }
0xc8: {  	[spmem:s15] =	stream.indirect.scatter.add.f32 [tilespmem:s5], [sflag:$0x5], $0x10, s6, s6, $0xb8;
	[tilespmem:$0x1F360] =	vst v63  }
0xc9: {  	_ =	swait.ge [sflag:s4], $0x800  }
0xca: {  	[sflag:s4] =	ssyncset.done $0x0  }
0xcb: {  	[sflag:s4] =	ssyncadd.s32 $0xFFFFF800  }
0xcc: {  	_ =	swait.ge [sflag:s16], $0x4000  }
0xcd: {  	[sflag:s16] =	ssyncset.done $0x0  }
0xce: {  	[sflag:s16] =	ssyncadd.s32 $0xFFFFC000  }
0xcf: {  	[spmem:s14] =	stream.indirect.scatter.add.f32 [tilespmem:s11], [sflag:$0x5], $0x80, s13, s6, $0xb8;
	[tilespmem:$0x1F360] =	vst v63  }
0xd0: {  	_ =	swait.ge [sflag:s4], $0x4000  }
0xd1: {  	[sflag:s4] =	ssyncset.done $0x0  }
0xd2: {  	[sflag:s4] =	ssyncadd.s32 $0xFFFFC000  }
0xd3: {  	[spmem:s15] =	stream.indirect.scatter.add.f32 [tilespmem:s5], [sflag:$0x5], $0x10, s13, s6, $0xb8;
	[tilespmem:$0x1F360] =	vst v63  }
0xd4: {  	_ =	swait.ge [sflag:s4], $0x800  }
0xd5: {  	s19 =	simm.s32 $0x10;
	[sflag:s4] =	ssyncset.done $0x0  }
0xd6: {  	s21 =	simm.s32 $0x200;
	s18 =	rddreg [dreg:$0x17];
	[sflag:s4] =	ssyncadd.s32 $0xFFFFF800  }
0xd7: {  	[tilespmem:s21], [sflag:$0x5] =	stream.strided.gather [hbm4b:s18+s19], $0x20, s7, s19, $0x38;
	[tilespmem:$0x1F360] =	vst v63  }
0xd8: {  	_ =	swait.ge [sflag:s4], $0x20  }
0xd9: {  	[sflag:s4] =	ssyncset.done $0x0  }
0xda: {  	[sflag:s4] =	ssyncadd.s32 $0xFFFFFFE0  }
0xdb: {  	[tilespmem:s3], [sflag:$0x5] =	stream.indirect.gather [hbm4b:s0+s19], $0x80, s21, s19, $0xb8;
	[tilespmem:$0x1F360] =	vst v63  }
0xdc: {  	_ =	swait.ge [sflag:s4], $0x800  }
0xdd: {  	[sflag:s4] =	ssyncset.done $0x0  }
0xde: {  	s20 =	simm.s32 $0x210;
	[sflag:s4] =	ssyncadd.s32 $0xFFFFF800  }
0xdf: {  	[spmem:s14] =	stream.indirect.scatter.add.f32 [tilespmem:s3], [sflag:$0x5], $0x80, s20, s19, $0xb8;
	[tilespmem:$0x1F360] =	vst v63  }
0xe0: {  	_ =	swait.ge [sflag:s4], $0x800  }
0xe1: {  	[sflag:s4] =	ssyncset.done $0x0  }
0xe2: {  	[sflag:s4] =	ssyncadd.s32 $0xFFFFF800  }
0xe3: {  	[spmem:s15] =	stream.indirect.scatter.add.f32 [tilespmem:s5], [sflag:$0x5], $0x10, s20, s19, $0xb8;
	[tilespmem:$0x1F360] =	vst v63  }
0xe4: {  	_ =	swait.ge [sflag:s4], $0x100  }
0xe5: {  	[sflag:s4] =	ssyncset.done $0x0  }
0xe6: {  	[sflag:s4] =	ssyncadd.s32 $0xFFFFFF00  }
0xe7: {  	[bflag:$0x0] =	sbarrier.arrive $0xFFFF  }
0xe8: {  	[tilespmem:s3], [sflag:$0x5] =	stream.linear.gather [spmem:s22], $0x4000, $0x38;
	[tilespmem:$0x1F360] =	vst v63  }
0xe9: {  	_ =	swait.ge [sflag:s4], $0x4000  }
0xea: {  	[sflag:s4] =	ssyncset.done $0x0  }
0xeb: {  	s21 =	rddreg [dreg:$0x6];
	[sflag:s4] =	ssyncadd.s32 $0xFFFFC000  }
0xec: {  	[hbm4b:s21+s2] =	stream.linear.scatter [tilespmem:s3], [sflag:$0x5], $0x4000, $0x38;
	[tilespmem:$0x1F360] =	vst v63  }
0xed: {  	_ =	swait.ge [sflag:s4], $0x4000  }
0xee: {  	[sflag:s4] =	ssyncset.done $0x0  }
0xef: {  	[sflag:s4] =	ssyncadd.s32 $0xFFFFC000  }
0xf0: {  	[tilespmem:s28], [sflag:$0x5] =	stream.linear.gather [spmem:s31], $0x800, $0x38;
	[tilespmem:$0x1F360] =	vst v63  }
0xf1: {  	_ =	swait.ge [sflag:s4], $0x800  }
0xf2: {  	[sflag:s4] =	ssyncset.done $0x0  }
0xf3: {  	s19 =	rddreg [dreg:$0x7];
	[sflag:s4] =	ssyncadd.s32 $0xFFFFF800  }
0xf4: {  	[hbm4b:s19+s2] =	stream.linear.scatter [tilespmem:s28], [sflag:$0x5], $0x800, $0x38;
	[tilespmem:$0x1F360] =	vst v63  }
0xf5: {  	_ =	swait.ge [sflag:s4], $0x800  }
0xf6: {  	[sflag:s4] =	ssyncset.done $0x0  }
0xf7: {  	[sflag:s4] =	ssyncadd.s32 $0xFFFFF800  }
0xf8: {  	[tilespmem:s3], [sflag:$0x5] =	stream.linear.gather [spmem:s23], $0x4000, $0x38;
	[tilespmem:$0x1F360] =	vst v63  }
0xf9: {  	_ =	swait.ge [sflag:s4], $0x4000  }
0xfa: {  	[sflag:s4] =	ssyncset.done $0x0  }
0xfb: {  	s21 =	rddreg [dreg:$0x8];
	[sflag:s4] =	ssyncadd.s32 $0xFFFFC000  }
0xfc: {  	[hbm4b:s21+s2] =	stream.linear.scatter [tilespmem:s3], [sflag:$0x5], $0x4000, $0x38;
	[tilespmem:$0x1F360] =	vst v63  }
0xfd: {  	_ =	swait.ge [sflag:s4], $0x4000  }
0xfe: {  	[sflag:s4] =	ssyncset.done $0x0  }
0xff: {  	[sflag:s4] =	ssyncadd.s32 $0xFFFFC000  }
0x100: {  	[tilespmem:s28], [sflag:$0x5] =	stream.linear.gather [spmem:s1], $0x800, $0x38;
	[tilespmem:$0x1F360] =	vst v63  }
0x101: {  	_ =	swait.ge [sflag:s4], $0x800  }
0x102: {  	[sflag:s4] =	ssyncset.done $0x0  }
0x103: {  	s20 =	smov.u32 s31;
	s31 =	rddreg [dreg:$0xc];
	[sflag:s4] =	ssyncadd.s32 $0xFFFFF800  }
0x104: {  	[hbm4b:s31+s2] =	stream.linear.scatter [tilespmem:s28], [sflag:$0x5], $0x800, $0x38;
	[tilespmem:$0x1F360] =	vst v63  }
0x105: {  	_ =	swait.ge [sflag:s4], $0x800  }
0x106: {  	[sflag:s4] =	ssyncset.done $0x0  }
0x107: {  	[sflag:s4] =	ssyncadd.s32 $0xFFFFF800  }
0x108: {  	[tilespmem:s3], [sflag:$0x5] =	stream.linear.gather [spmem:s24], $0x4000, $0x38;
	[tilespmem:$0x1F360] =	vst v63  }
0x109: {  	_ =	swait.ge [sflag:s4], $0x4000  }
0x10a: {  	[sflag:s4] =	ssyncset.done $0x0  }
0x10b: {  	s21 =	smov.u32 s1;
	s1 =	rddreg [dreg:$0x9];
	[sflag:s4] =	ssyncadd.s32 $0xFFFFC000  }
0x10c: {  	[hbm4b:s1+s2] =	stream.linear.scatter [tilespmem:s3], [sflag:$0x5], $0x4000, $0x38;
	[tilespmem:$0x1F360] =	vst v63  }
0x10d: {  	_ =	swait.ge [sflag:s4], $0x4000  }
0x10e: {  	[sflag:s4] =	ssyncset.done $0x0  }
0x10f: {  	s19 =	rddreg [dreg:$0x10];
	[sflag:s4] =	ssyncadd.s32 $0xFFFFC000  }
0x110: {  	[tilespmem:s28], [sflag:$0x5] =	stream.linear.gather [spmem:s19], $0x800, $0x38;
	[tilespmem:$0x1F360] =	vst v63  }
0x111: {  	_ =	swait.ge [sflag:s4], $0x800  }
0x112: {  	[sflag:s4] =	ssyncset.done $0x0  }
0x113: {  	s31 =	rddreg [dreg:$0xd];
	[sflag:s4] =	ssyncadd.s32 $0xFFFFF800  }
0x114: {  	[hbm4b:s31+s2] =	stream.linear.scatter [tilespmem:s28], [sflag:$0x5], $0x800, $0x38;
	[tilespmem:$0x1F360] =	vst v63  }
0x115: {  	_ =	swait.ge [sflag:s4], $0x800  }
0x116: {  	[sflag:s4] =	ssyncset.done $0x0  }
0x117: {  	[sflag:s4] =	ssyncadd.s32 $0xFFFFF800  }
0x118: {  	[tilespmem:s3], [sflag:$0x5] =	stream.linear.gather [spmem:s25], $0x4000, $0x38;
	[tilespmem:$0x1F360] =	vst v63  }
0x119: {  	_ =	swait.ge [sflag:s4], $0x4000  }
0x11a: {  	[sflag:s4] =	ssyncset.done $0x0  }
0x11b: {  	s1 =	rddreg [dreg:$0xa];
	[sflag:s4] =	ssyncadd.s32 $0xFFFFC000  }
0x11c: {  	[hbm4b:s1+s2] =	stream.linear.scatter [tilespmem:s3], [sflag:$0x5], $0x4000, $0x38;
	[tilespmem:$0x1F360] =	vst v63  }
0x11d: {  	_ =	swait.ge [sflag:s4], $0x4000  }
0x11e: {  	[sflag:s4] =	ssyncset.done $0x0  }
0x11f: {  	s19 =	rddreg [dreg:$0x11];
	[sflag:s4] =	ssyncadd.s32 $0xFFFFC000  }
0x120: {  	[tilespmem:s28], [sflag:$0x5] =	stream.linear.gather [spmem:s19], $0x800, $0x38;
	[tilespmem:$0x1F360] =	vst v63  }
0x121: {  	_ =	swait.ge [sflag:s4], $0x800  }
0x122: {  	[sflag:s4] =	ssyncset.done $0x0  }
0x123: {  	s31 =	rddreg [dreg:$0xe];
	[sflag:s4] =	ssyncadd.s32 $0xFFFFF800  }
0x124: {  	[hbm4b:s31+s2] =	stream.linear.scatter [tilespmem:s28], [sflag:$0x5], $0x800, $0x38;
	[tilespmem:$0x1F360] =	vst v63  }
0x125: {  	_ =	swait.ge [sflag:s4], $0x800  }
0x126: {  	[sflag:s4] =	ssyncset.done $0x0  }
0x127: {  	[sflag:s4] =	ssyncadd.s32 $0xFFFFF800  }
0x128: {  	[tilespmem:s11], [sflag:$0x5] =	stream.linear.gather [spmem:s26], $0x3A00, $0x38;
	[tilespmem:$0x1F360] =	vst v63  }
0x129: {  	_ =	swait.ge [sflag:s4], $0x3A00  }
0x12a: {  	[sflag:s4] =	ssyncset.done $0x0  }
0x12b: {  	s1 =	rddreg [dreg:$0xb];
	[sflag:s4] =	ssyncadd.s32 $0xFFFFC600  }
0x12c: {  	[hbm4b:s1+s2] =	stream.linear.scatter [tilespmem:s11], [sflag:$0x5], $0x3A00, $0x38;
	[tilespmem:$0x1F360] =	vst v63  }
0x12d: {  	_ =	swait.ge [sflag:s4], $0x3A00  }
0x12e: {  	[sflag:s4] =	ssyncset.done $0x0  }
0x12f: {  	s18 =	rddreg [dreg:$0x12];
	[sflag:s4] =	ssyncadd.s32 $0xFFFFC600  }
0x130: {  	[tilespmem:s28], [sflag:$0x5] =	stream.linear.gather [spmem:s18], $0x740, $0x38;
	[tilespmem:$0x1F360] =	vst v63  }
0x131: {  	_ =	swait.ge [sflag:s4], $0x740  }
0x132: {  	[sflag:s4] =	ssyncset.done $0x0  }
0x133: {  	s19 =	rddreg [dreg:$0xf];
	[sflag:s4] =	ssyncadd.s32 $0xFFFFF8C0  }
0x134: {  	[hbm4b:s19+s2] =	stream.linear.scatter [tilespmem:s28], [sflag:$0x5], $0x740, $0x38;
	[tilespmem:$0x1F360] =	vst v63  }
0x135: {  	_ =	swait.ge [sflag:s4], $0x740  }
0x136: {  	s17 =	sadd.s32 $0x1, s17;
	s31 =	rddreg [dreg:$0x14]  }
0x137: {  	p0 =	sne.s32 s17, s31  }
.Ltmp4:
0x138: {  	_ = 	snop;
	(pc) =	sbr.rel @p0 .LBB2_1-.Ltmp4, $3  }
0x139: {  	_ =	sdelay $0x1  }
0x13a: {  	[sflag:s4] =	ssyncset.done $0x0  }
0x13b: {  	[sflag:s4] =	ssyncadd.s32 $0xFFFFF8C0  }
0x13c: {  	_ =	sfence.sel $0x180000  }
0x13d: {  	[bflag:$0x0] =	sbarrier.arrive $0xFFFF  }
0x13e: {  	_ =	strace $0x90000047  }
0x13f: {  	s0 =	stileid.u32;
	[bflag:$0x2] =	sbarrier.arrive $0xFFFF  }
0x140: {  	p0 =	sne.s32 s0, $0x0;
	s0 =	rddreg [dreg:$0x5]  }
0x141: {  	s0 =	sadd.s32 @!p0 $0x100000, s0  }
0x142: {  	[sflag:s0] =	ssyncadd.tile.s32 @!p0 $0x1;
	_ =	shalt  }
.Lfunc_end2:
_tile_overlayer_lowered:
.L_overlay_start_2:
0x143: {  	(tag) =	ssettag $0x2  }
0x144: {  	s0 =	rddreg [dreg:$0x0];
	s2 =	stileid.u32  }
0x145: {  	s1 =	rddreg [dreg:$0x1];
	p0 =	sne.s32 s2, $0x0  }
0x146: {  	s3 =	rddreg [dreg:$0x2];
	[bflag:$0x3] =	sbarrier.arrive $0xFFFF;
	s2 =	simm.s32 @!p0 $0x1C05  }
0x147: {  	[timem:s3], [sflag:s2] =	dma.local @!p0 [hbm:s0], s1  }
0x148: {  	s0 =	simm.s32 @!p0 $0x5  }
0x149: {  	_ =	swait.ge @!p0 [sflag:s0], s1  }
0x14a: {  	s1 =	ssub.s32 @!p0 $0x0, s1;
	[sflag:s0] =	ssyncset.done @!p0 $0x0  }
0x14b: {  	[sflag:s0] =	ssyncadd.s32 @!p0 s1  }
0x14c: {  	[bflag:$0x3] =	sbarrier.arrive $0xFFFF  }
0x14d: {  	_ =	shalt  }

</sc_bundles>
